<compile_context>
chip_gen: v7x
topology: tpu7x:2x2x1
jax: 0.10.2.dev20260603
libtpu: 0.0.44.dev20260713+nightly
codegen_flags: <defaults>
</compile_context>

<pallas_src>
import functools

import jax
import jax.numpy as jnp
from jax import lax
from jax.experimental import pallas as pl
from jax.experimental.pallas import tpu as pltpu
from jax.experimental.pallas import tpu_sc as plsc

_CH = 128
_SCK = 256


def _make_kernel(B, S, H, V):
    info = plsc.get_sparse_core_info()
    NC, NS = info.num_cores, info.num_subcores
    NW = NC * NS
    TOK = B * S
    TPW = TOK // NW
    CH = _CH
    SCK = _SCK
    NSC = TPW // SCK
    NCH = TPW // CH
    G = H // 16
    NB = 3

    mesh = plsc.VectorSubcoreMesh(core_axis_name="c", subcore_axis_name="s")

    @functools.partial(
        pl.kernel,
        out_type=jax.ShapeDtypeStruct((TOK // CH, CH, H), jnp.float32),
        mesh=mesh,
        compiler_params=pltpu.CompilerParams(use_tc_tiling_on_sc=False),
        scratch_types=[
            pltpu.VMEM((NCH, CH), jnp.int32),
            pltpu.VMEM((TPW,), jnp.int32),
            pltpu.VMEM((2, CH, H), jnp.float32),
            pltpu.VMEM((2, CH, H), jnp.float32),
            pltpu.VMEM((2, CH, H), jnp.float32),
            pltpu.VMEM((S, H), jnp.float32),
            pltpu.VMEM((2 * S, H), jnp.float32),
            pltpu.VMEM((TPW + 16,), jnp.int32),
            pltpu.VMEM((2, H), jnp.float32),
            pltpu.SemaphoreType.DMA,
            pltpu.SemaphoreType.DMA,
            pltpu.SemaphoreType.DMA,
            pltpu.SemaphoreType.DMA,
            pltpu.SemaphoreType.DMA,
            pltpu.SemaphoreType.DMA,
        ],
    )
    def k(in_hbm, maskf_hbm, emb_hbm, pos_hbm, mt_hbm, out_hbm,
          tall, mall, erow0, erow1, erow2, posv, posm, cidx, mtv,
          semg0, semg1, semg2, semo0, semo1, semo2):
        wid = lax.axis_index("s") * NC + lax.axis_index("c")
        erow = (erow0, erow1, erow2)
        semg = (semg0, semg1, semg2)
        semo = (semo0, semo1, semo2)
        pltpu.sync_copy(in_hbm.at[pl.ds(wid * NCH, NCH), :], tall)
        for r in range(NB - 1):
            pltpu.async_copy(emb_hbm.at[tall.at[2 * r]],
                             erow[r].at[0], semg[r])
            pltpu.async_copy(emb_hbm.at[tall.at[2 * r + 1]],
                             erow[r].at[1], semg[r])
        pltpu.sync_copy(pos_hbm, posv)
        pltpu.sync_copy(mt_hbm, mtv)
        pltpu.sync_copy(maskf_hbm.at[pl.ds(wid * TPW, TPW)], mall)

        mt0 = [mtv[0, pl.ds(j * 16, 16)] for j in range(G)]
        mt1 = [mtv[1, pl.ds(j * 16, 16)] for j in range(G)]

        def pos_prep(s, carry):
            for j in range(G):
                sl = pl.ds(j * 16, 16)
                v = posv[s, sl]
                posm[2 * s, sl] = v + mt0[j]
                posm[2 * s + 1, sl] = v + mt1[j]
            return carry

        lax.fori_loop(0, S, pos_prep, 0)

        lane = jnp.arange(16, dtype=jnp.int32)

        def cidx_prep(ii, carry):
            sl = pl.ds(ii * 16, 16)
            cidx[sl] = 2 * lax.rem(lane + ii * 16, S) + mall[sl]
            return carry

        lax.fori_loop(0, TPW // 16, cidx_prep, 0)

        def fire_gather(u, p):
            pltpu.async_copy(emb_hbm.at[tall.at[2 * u]],
                             erow[p].at[0], semg[p])
            pltpu.async_copy(emb_hbm.at[tall.at[2 * u + 1]],
                             erow[p].at[1], semg[p])

        def out_slice(u):
            return out_hbm.at[pl.ds(wid * NCH + 2 * u, 2), :, :]

        def drain_gather(p):
            pltpu.make_async_copy(out_slice(0), erow[p], semg[p]).wait()

        def drain_out(u, p):
            pltpu.make_async_copy(erow[p], out_slice(u), semo[p]).wait()

        def compute(u, p):
            @plsc.parallel_loop(0, SCK, 1, unroll=8)
            def body(t):
                ci = cidx[pl.ds(u * SCK + t, 16)][0]
                h = t // CH
                r = t % CH
                for j in range(G):
                    sl = pl.ds(j * 16, 16)
                    erow[p][h, r, sl] = erow[p][h, r, sl] + posm[ci, sl]

        def stage(u, p):
            q = (p + NB - 1) % NB

            @pl.when(u < NSC)
            def _():
                @pl.when(u + NB - 1 < NSC)
                def _():
                    @pl.when(u >= 1)
                    def _():
                        drain_out(u - 1, q)
                    fire_gather(u + NB - 1, q)

                drain_gather(p)
                compute(u, p)
                pltpu.async_copy(erow[p], out_slice(u), semo[p])

        def ring_body(ii, carry):
            for r in range(NB):
                stage(NB * ii + r, r)
            return carry

        lax.fori_loop(0, (NSC + NB - 1) // NB, ring_body, 0)
        for u in range(NSC - NB, NSC):
            drain_out(u, u % NB)

    return k


def kernel(Input, mask, emb_table, pos_table, mask_table):
    B, S = Input.shape
    V, H = emb_table.shape
    k = _make_kernel(B, S, H, V)
    out = k(Input.reshape(-1, _CH), mask.reshape(-1), emb_table,
            pos_table[:S], mask_table)
    return out.reshape(B, S, H)

# --- scband reference (transcript-rebuilt; emitter-appended) ---
"""Pipeline reference for scband-embedding-8521215115409 (READ-ONLY COPY).

The authoritative reference and input builder live on the scoring server;
editing this copy changes nothing except your own understanding.
"""

import jax, jax.numpy as jnp
import numpy as np

VOCAB = 100000
HIDDEN = 64
MAX_POS = 512
BATCH = 1024
SEQ = 200

def setup_inputs(seed: int = 0) -> dict:
    key = jax.random.key(seed)
    k1, k2, k3, k4, k5 = jax.random.split(key, 5)
    Input = jax.random.randint(k1, (BATCH, SEQ), 0, VOCAB, dtype=jnp.int64 if jax.config.jax_enable_x64 else jnp.int32).astype(jnp.int32)
    mask = jax.random.randint(k2, (BATCH, SEQ), 0, 2, dtype=jnp.int32)
    emb_table = jax.random.normal(k3, (VOCAB, HIDDEN), dtype=jnp.float32) * 0.02
    pos_table = jax.random.normal(k4, (MAX_POS, HIDDEN), dtype=jnp.float32) * 0.02
    mask_table = jax.random.normal(k5, (2, HIDDEN), dtype=jnp.float32) * 0.02
    return {"Input": Input, "mask": mask, "emb_table": emb_table, "pos_table": pos_table, "mask_table": mask_table}

def reference(Input, mask, emb_table, pos_table, mask_table):
    batch_size, seq_length = Input.shape
    # position_ids buffer: arange(max_position_embeddings), expanded to batch then sliced
    position_ids = jnp.arange(MAX_POS, dtype=jnp.int32)[None, :]
    position_ids = jnp.broadcast_to(position_ids, (batch_size, MAX_POS))
    position_ids = position_ids[:, 0:seq_length]
    x = jnp.take(emb_table, Input, axis=0)
    x = x + jnp.take(pos_table, position_ids, axis=0)
    x = x + jnp.take(mask_table, mask, axis=0)
    return x

if __name__ == "__main__":
    import jax
    _d = setup_inputs()
    print(jax.jit(kernel)(*tuple(_d.values())))

</pallas_src>

<mosaic_0001>
#map = affine_map<(d0, d1) -> (0, 0)>
#map1 = affine_map<(d0, d1) -> (0)>
#map2 = affine_map<(d0, d1) -> (0, 0, 0)>
module attributes {stable_mosaic.version = 14 : i64} {
  func.func @k(%arg0: i32, %arg1: i32, %arg2: memref<1600x128xi32, #tpu.memory_space<hbm>>, %arg3: memref<204800xi32, #tpu.memory_space<hbm>>, %arg4: memref<100000x64xf32, #tpu.memory_space<hbm>>, %arg5: memref<200x64xf32, #tpu.memory_space<hbm>>, %arg6: memref<2x64xf32, #tpu.memory_space<hbm>>, %arg7: memref<1600x128x64xf32, #tpu.memory_space<hbm>>, %arg8: memref<50x128xi32, #tpu.memory_space<vmem>>, %arg9: memref<6400xi32, #tpu.memory_space<vmem>>, %arg10: memref<2x128x64xf32, #tpu.memory_space<vmem>>, %arg11: memref<2x128x64xf32, #tpu.memory_space<vmem>>, %arg12: memref<2x128x64xf32, #tpu.memory_space<vmem>>, %arg13: memref<200x64xf32, #tpu.memory_space<vmem>>, %arg14: memref<400x64xf32, #tpu.memory_space<vmem>>, %arg15: memref<6416xi32, #tpu.memory_space<vmem>>, %arg16: memref<2x64xf32, #tpu.memory_space<vmem>>, %arg17: memref<!tpu.dma_semaphore, #tpu.memory_space<semaphore_mem>>, %arg18: memref<!tpu.dma_semaphore, #tpu.memory_space<semaphore_mem>>, %arg19: memref<!tpu.dma_semaphore, #tpu.memory_space<semaphore_mem>>, %arg20: memref<!tpu.dma_semaphore, #tpu.memory_space<semaphore_mem>>, %arg21: memref<!tpu.dma_semaphore, #tpu.memory_space<semaphore_mem>>, %arg22: memref<!tpu.dma_semaphore, #tpu.memory_space<semaphore_mem>>) attributes {dimension_semantics = [#tpu.dimension_semantics<core_parallel>, #tpu.dimension_semantics<subcore_parallel>], iteration_bounds = array<i64: 2, 16>, scalar_prefetch = 0 : i64, scratch_operands = 15 : i64, tpu.core_type = #tpu.core_type<sc_vector_subcore>, window_params = [{transform_indices = #map}, {transform_indices = #map1}, {transform_indices = #map}, {transform_indices = #map}, {transform_indices = #map}, {transform_indices = #map2}]} {
    %mul3A = arith.constant 2 : i32
    %mul3A_0 = arith.muli %arg1, %mul3A : i32
    %add3A = arith.addi %mul3A_0, %arg0 : i32
    %mul3A_1 = arith.constant 50 : i32
    %mul3A_2 = arith.muli %add3A, %mul3A_1 : i32
    "tpu.region"() ({
      %run_scoped3A = tpu.sem_alloc : memref<!tpu.dma_semaphore, #tpu.memory_space<semaphore_mem>>
      %dma_start3A_137 = arith.constant 0 : i32
      %dma_start3A_138 = tpu.memref_slice %arg2[%mul3A_2, %dma_start3A_137] : memref<1600x128xi32, #tpu.memory_space<hbm>> -> memref<50x128xi32, #tpu.memory_space<hbm>>
      %dma_start3A_139 = arith.constant 0 : i32
      %dma_start3A_140 = tpu.memref_slice %arg2[%mul3A_2, %dma_start3A_139] : memref<1600x128xi32, #tpu.memory_space<hbm>> -> memref<50x128xi32, #tpu.memory_space<hbm>>
      tpu.enqueue_dma source(%dma_start3A_140 : memref<50x128xi32, #tpu.memory_space<hbm>>) target(%arg8 : memref<50x128xi32, #tpu.memory_space<vmem>>) target_semaphore(%run_scoped3A : memref<!tpu.dma_semaphore, #tpu.memory_space<semaphore_mem>>)
      %dma_wait3A_141 = arith.constant 0 : i32
      %dma_wait3A_142 = tpu.memref_slice %arg2[%mul3A_2, %dma_wait3A_141] : memref<1600x128xi32, #tpu.memory_space<hbm>> -> memref<50x128xi32, #tpu.memory_space<hbm>>
      %dma_wait3A_143 = arith.constant 0 : i32
      %dma_wait3A_144 = tpu.memref_slice %arg2[%mul3A_2, %dma_wait3A_143] : memref<1600x128xi32, #tpu.memory_space<hbm>> -> memref<50x128xi32, #tpu.memory_space<hbm>>
      tpu.wait_dma2 semaphore(%run_scoped3A : memref<!tpu.dma_semaphore, #tpu.memory_space<semaphore_mem>>) src(%dma_wait3A_144 : memref<50x128xi32, #tpu.memory_space<hbm>>) dst(%arg8 : memref<50x128xi32, #tpu.memory_space<vmem>>)
      tpu.yield
    }) : () -> ()
    %dma_start3A = arith.constant 0 : i32
    %dma_start3A_3 = arith.constant 0 : i32
    %dma_start3A_4 = arith.constant 0 : i32
    %dma_start3A_5 = arith.constant 0 : i32
    %dma_start3A_6 = tpu.memref_slice %arg10[%dma_start3A_3, %dma_start3A_4, %dma_start3A_5] : memref<2x128x64xf32, #tpu.memory_space<vmem>> -> memref<1x128x64xf32, #tpu.memory_space<vmem>>
    %dma_start3A_7 = tpu.memref_squeeze %dma_start3A_6 : memref<1x128x64xf32, #tpu.memory_space<vmem>> -> memref<128x64xf32, #tpu.memory_space<vmem>>
    %dma_start3A_8 = arith.constant 0 : i32
    %dma_start3A_9 = tpu.memref_slice %arg8[%dma_start3A, %dma_start3A_8] : memref<50x128xi32, #tpu.memory_space<vmem>> -> memref<1x128xi32, #tpu.memory_space<vmem>>
    %dma_start3A_10 = tpu.memref_squeeze %dma_start3A_9 : memref<1x128xi32, #tpu.memory_space<vmem>> -> memref<128xi32, #tpu.memory_space<vmem>>
    %dma_start3A_11 = arith.constant 0 : i32
    %dma_start3A_12 = arith.constant 0 : i32
    %dma_start3A_13 = tpu.memref_slice %arg4[%dma_start3A_11, %dma_start3A_12] : memref<100000x64xf32, #tpu.memory_space<hbm>> -> memref<100000x64xf32, #tpu.memory_space<hbm>>
    tpu.enqueue_indirect_dma source(%dma_start3A_13 : memref<100000x64xf32, #tpu.memory_space<hbm>>) target(%dma_start3A_7 : memref<128x64xf32, #tpu.memory_space<vmem>>) offsets(%dma_start3A_10 : memref<128xi32, #tpu.memory_space<vmem>>) semaphore(%arg17 : memref<!tpu.dma_semaphore, #tpu.memory_space<semaphore_mem>>)
    %dma_start3A_14 = arith.constant 1 : i32
    %dma_start3A_15 = arith.constant 1 : i32
    %dma_start3A_16 = arith.constant 0 : i32
    %dma_start3A_17 = arith.constant 0 : i32
    %dma_start3A_18 = tpu.memref_slice %arg10[%dma_start3A_15, %dma_start3A_16, %dma_start3A_17] : memref<2x128x64xf32, #tpu.memory_space<vmem>> -> memref<1x128x64xf32, #tpu.memory_space<vmem>>
    %dma_start3A_19 = tpu.memref_squeeze %dma_start3A_18 : memref<1x128x64xf32, #tpu.memory_space<vmem>> -> memref<128x64xf32, #tpu.memory_space<vmem>>
    %dma_start3A_20 = arith.constant 0 : i32
    %dma_start3A_21 = tpu.memref_slice %arg8[%dma_start3A_14, %dma_start3A_20] : memref<50x128xi32, #tpu.memory_space<vmem>> -> memref<1x128xi32, #tpu.memory_space<vmem>>
    %dma_start3A_22 = tpu.memref_squeeze %dma_start3A_21 : memref<1x128xi32, #tpu.memory_space<vmem>> -> memref<128xi32, #tpu.memory_space<vmem>>
    %dma_start3A_23 = arith.constant 0 : i32
    %dma_start3A_24 = arith.constant 0 : i32
    %dma_start3A_25 = tpu.memref_slice %arg4[%dma_start3A_23, %dma_start3A_24] : memref<100000x64xf32, #tpu.memory_space<hbm>> -> memref<100000x64xf32, #tpu.memory_space<hbm>>
    tpu.enqueue_indirect_dma source(%dma_start3A_25 : memref<100000x64xf32, #tpu.memory_space<hbm>>) target(%dma_start3A_19 : memref<128x64xf32, #tpu.memory_space<vmem>>) offsets(%dma_start3A_22 : memref<128xi32, #tpu.memory_space<vmem>>) semaphore(%arg17 : memref<!tpu.dma_semaphore, #tpu.memory_space<semaphore_mem>>)
    %dma_start3A_26 = arith.constant 2 : i32
    %dma_start3A_27 = arith.constant 0 : i32
    %dma_start3A_28 = arith.constant 0 : i32
    %dma_start3A_29 = arith.constant 0 : i32
    %dma_start3A_30 = tpu.memref_slice %arg11[%dma_start3A_27, %dma_start3A_28, %dma_start3A_29] : memref<2x128x64xf32, #tpu.memory_space<vmem>> -> memref<1x128x64xf32, #tpu.memory_space<vmem>>
    %dma_start3A_31 = tpu.memref_squeeze %dma_start3A_30 : memref<1x128x64xf32, #tpu.memory_space<vmem>> -> memref<128x64xf32, #tpu.memory_space<vmem>>
    %dma_start3A_32 = arith.constant 0 : i32
    %dma_start3A_33 = tpu.memref_slice %arg8[%dma_start3A_26, %dma_start3A_32] : memref<50x128xi32, #tpu.memory_space<vmem>> -> memref<1x128xi32, #tpu.memory_space<vmem>>
    %dma_start3A_34 = tpu.memref_squeeze %dma_start3A_33 : memref<1x128xi32, #tpu.memory_space<vmem>> -> memref<128xi32, #tpu.memory_space<vmem>>
    %dma_start3A_35 = arith.constant 0 : i32
    %dma_start3A_36 = arith.constant 0 : i32
    %dma_start3A_37 = tpu.memref_slice %arg4[%dma_start3A_35, %dma_start3A_36] : memref<100000x64xf32, #tpu.memory_space<hbm>> -> memref<100000x64xf32, #tpu.memory_space<hbm>>
    tpu.enqueue_indirect_dma source(%dma_start3A_37 : memref<100000x64xf32, #tpu.memory_space<hbm>>) target(%dma_start3A_31 : memref<128x64xf32, #tpu.memory_space<vmem>>) offsets(%dma_start3A_34 : memref<128xi32, #tpu.memory_space<vmem>>) semaphore(%arg18 : memref<!tpu.dma_semaphore, #tpu.memory_space<semaphore_mem>>)
    %dma_start3A_38 = arith.constant 3 : i32
    %dma_start3A_39 = arith.constant 1 : i32
    %dma_start3A_40 = arith.constant 0 : i32
    %dma_start3A_41 = arith.constant 0 : i32
    %dma_start3A_42 = tpu.memref_slice %arg11[%dma_start3A_39, %dma_start3A_40, %dma_start3A_41] : memref<2x128x64xf32, #tpu.memory_space<vmem>> -> memref<1x128x64xf32, #tpu.memory_space<vmem>>
    %dma_start3A_43 = tpu.memref_squeeze %dma_start3A_42 : memref<1x128x64xf32, #tpu.memory_space<vmem>> -> memref<128x64xf32, #tpu.memory_space<vmem>>
    %dma_start3A_44 = arith.constant 0 : i32
    %dma_start3A_45 = tpu.memref_slice %arg8[%dma_start3A_38, %dma_start3A_44] : memref<50x128xi32, #tpu.memory_space<vmem>> -> memref<1x128xi32, #tpu.memory_space<vmem>>
    %dma_start3A_46 = tpu.memref_squeeze %dma_start3A_45 : memref<1x128xi32, #tpu.memory_space<vmem>> -> memref<128xi32, #tpu.memory_space<vmem>>
    %dma_start3A_47 = arith.constant 0 : i32
    %dma_start3A_48 = arith.constant 0 : i32
    %dma_start3A_49 = tpu.memref_slice %arg4[%dma_start3A_47, %dma_start3A_48] : memref<100000x64xf32, #tpu.memory_space<hbm>> -> memref<100000x64xf32, #tpu.memory_space<hbm>>
    tpu.enqueue_indirect_dma source(%dma_start3A_49 : memref<100000x64xf32, #tpu.memory_space<hbm>>) target(%dma_start3A_43 : memref<128x64xf32, #tpu.memory_space<vmem>>) offsets(%dma_start3A_46 : memref<128xi32, #tpu.memory_space<vmem>>) semaphore(%arg18 : memref<!tpu.dma_semaphore, #tpu.memory_space<semaphore_mem>>)
    "tpu.region"() ({
      %run_scoped3A = tpu.sem_alloc : memref<!tpu.dma_semaphore, #tpu.memory_space<semaphore_mem>>
      tpu.enqueue_dma source(%arg5 : memref<200x64xf32, #tpu.memory_space<hbm>>) target(%arg13 : memref<200x64xf32, #tpu.memory_space<vmem>>) target_semaphore(%run_scoped3A : memref<!tpu.dma_semaphore, #tpu.memory_space<semaphore_mem>>)
      tpu.wait_dma2 semaphore(%run_scoped3A : memref<!tpu.dma_semaphore, #tpu.memory_space<semaphore_mem>>) src(%arg5 : memref<200x64xf32, #tpu.memory_space<hbm>>) dst(%arg13 : memref<200x64xf32, #tpu.memory_space<vmem>>)
      tpu.yield
    }) : () -> ()
    "tpu.region"() ({
      %run_scoped3A = tpu.sem_alloc : memref<!tpu.dma_semaphore, #tpu.memory_space<semaphore_mem>>
      tpu.enqueue_dma source(%arg6 : memref<2x64xf32, #tpu.memory_space<hbm>>) target(%arg16 : memref<2x64xf32, #tpu.memory_space<vmem>>) target_semaphore(%run_scoped3A : memref<!tpu.dma_semaphore, #tpu.memory_space<semaphore_mem>>)
      tpu.wait_dma2 semaphore(%run_scoped3A : memref<!tpu.dma_semaphore, #tpu.memory_space<semaphore_mem>>) src(%arg6 : memref<2x64xf32, #tpu.memory_space<hbm>>) dst(%arg16 : memref<2x64xf32, #tpu.memory_space<vmem>>)
      tpu.yield
    }) : () -> ()
    %mul3A_50 = arith.constant 6400 : i32
    %mul3A_51 = arith.muli %add3A, %mul3A_50 : i32
    "tpu.region"() ({
      %run_scoped3A = tpu.sem_alloc : memref<!tpu.dma_semaphore, #tpu.memory_space<semaphore_mem>>
      %dma_start3A_137 = tpu.memref_slice %arg3[%mul3A_51] : memref<204800xi32, #tpu.memory_space<hbm>> -> memref<6400xi32, #tpu.memory_space<hbm>>
      %dma_start3A_138 = tpu.memref_slice %arg3[%mul3A_51] : memref<204800xi32, #tpu.memory_space<hbm>> -> memref<6400xi32, #tpu.memory_space<hbm>>
      tpu.enqueue_dma source(%dma_start3A_138 : memref<6400xi32, #tpu.memory_space<hbm>>) target(%arg9 : memref<6400xi32, #tpu.memory_space<vmem>>) target_semaphore(%run_scoped3A : memref<!tpu.dma_semaphore, #tpu.memory_space<semaphore_mem>>)
      %dma_wait3A_139 = tpu.memref_slice %arg3[%mul3A_51] : memref<204800xi32, #tpu.memory_space<hbm>> -> memref<6400xi32, #tpu.memory_space<hbm>>
      %dma_wait3A_140 = tpu.memref_slice %arg3[%mul3A_51] : memref<204800xi32, #tpu.memory_space<hbm>> -> memref<6400xi32, #tpu.memory_space<hbm>>
      tpu.wait_dma2 semaphore(%run_scoped3A : memref<!tpu.dma_semaphore, #tpu.memory_space<semaphore_mem>>) src(%dma_wait3A_140 : memref<6400xi32, #tpu.memory_space<hbm>>) dst(%arg9 : memref<6400xi32, #tpu.memory_space<vmem>>)
      tpu.yield
    }) : () -> ()
    %get3A = arith.constant 0 : i32
    %get3A_52 = arith.index_cast %get3A : i32 to index
    %get3A_53 = arith.constant 0 : index
    %get3A_54 = tpu.vector_load %arg16[%get3A_52, %get3A_53] {strides = array<i32>} : memref<2x64xf32, #tpu.memory_space<vmem>>, vector<1x16xf32>,
    %get3A_55 = vector.shape_cast %get3A_54 : vector<1x16xf32> to vector<16xf32>
    %get3A_56 = arith.constant 0 : i32
    %get3A_57 = arith.index_cast %get3A_56 : i32 to index
    %get3A_58 = arith.constant 16 : index
    %get3A_59 = tpu.vector_load %arg16[%get3A_57, %get3A_58] {strides = array<i32>} : memref<2x64xf32, #tpu.memory_space<vmem>>, vector<1x16xf32>,
    %get3A_60 = vector.shape_cast %get3A_59 : vector<1x16xf32> to vector<16xf32>
    %get3A_61 = arith.constant 0 : i32
    %get3A_62 = arith.index_cast %get3A_61 : i32 to index
    %get3A_63 = arith.constant 32 : index
    %get3A_64 = tpu.vector_load %arg16[%get3A_62, %get3A_63] {strides = array<i32>} : memref<2x64xf32, #tpu.memory_space<vmem>>, vector<1x16xf32>,
    %get3A_65 = vector.shape_cast %get3A_64 : vector<1x16xf32> to vector<16xf32>
    %get3A_66 = arith.constant 0 : i32
    %get3A_67 = arith.index_cast %get3A_66 : i32 to index
    %get3A_68 = arith.constant 48 : index
    %get3A_69 = tpu.vector_load %arg16[%get3A_67, %get3A_68] {strides = array<i32>} : memref<2x64xf32, #tpu.memory_space<vmem>>, vector<1x16xf32>,
    %get3A_70 = vector.shape_cast %get3A_69 : vector<1x16xf32> to vector<16xf32>
    %get3A_71 = arith.constant 1 : i32
    %get3A_72 = arith.index_cast %get3A_71 : i32 to index
    %get3A_73 = arith.constant 0 : index
    %get3A_74 = tpu.vector_load %arg16[%get3A_72, %get3A_73] {strides = array<i32>} : memref<2x64xf32, #tpu.memory_space<vmem>>, vector<1x16xf32>,
    %get3A_75 = vector.shape_cast %get3A_74 : vector<1x16xf32> to vector<16xf32>
    %get3A_76 = arith.constant 1 : i32
    %get3A_77 = arith.index_cast %get3A_76 : i32 to index
    %get3A_78 = arith.constant 16 : index
    %get3A_79 = tpu.vector_load %arg16[%get3A_77, %get3A_78] {strides = array<i32>} : memref<2x64xf32, #tpu.memory_space<vmem>>, vector<1x16xf32>,
    %get3A_80 = vector.shape_cast %get3A_79 : vector<1x16xf32> to vector<16xf32>
    %get3A_81 = arith.constant 1 : i32
    %get3A_82 = arith.index_cast %get3A_81 : i32 to index
    %get3A_83 = arith.constant 32 : index
    %get3A_84 = tpu.vector_load %arg16[%get3A_82, %get3A_83] {strides = array<i32>} : memref<2x64xf32, #tpu.memory_space<vmem>>, vector<1x16xf32>,
    %get3A_85 = vector.shape_cast %get3A_84 : vector<1x16xf32> to vector<16xf32>
    %get3A_86 = arith.constant 1 : i32
    %get3A_87 = arith.index_cast %get3A_86 : i32 to index
    %get3A_88 = arith.constant 48 : index
    %get3A_89 = tpu.vector_load %arg16[%get3A_87, %get3A_88] {strides = array<i32>} : memref<2x64xf32, #tpu.memory_space<vmem>>, vector<1x16xf32>,
    %get3A_90 = vector.shape_cast %get3A_89 : vector<1x16xf32> to vector<16xf32>
    %scan3A = arith.constant 0 : i32
    %scan3A_91 = arith.constant 0 : i32
    %scan3A_92 = arith.constant 200 : i32
    %scan3A_93 = arith.addi %scan3A_91, %scan3A_92 : i32
    %scan3A_94 = arith.constant 1 : i32
    scf.for %scan3A_137 = %scan3A_91 to %scan3A_93 step %scan3A_94  : i32 {
      %get3A_138 = arith.index_cast %scan3A_137 : i32 to index
      %get3A_139 = arith.constant 0 : index
      %get3A_140 = tpu.vector_load %arg13[%get3A_138, %get3A_139] {strides = array<i32>} : memref<200x64xf32, #tpu.memory_space<vmem>>, vector<1x16xf32>,
      %get3A_141 = vector.shape_cast %get3A_140 : vector<1x16xf32> to vector<16xf32>
      %add3A_142 = arith.addf %get3A_141, %get3A_55 : vector<16xf32>
      %mul3A_143 = arith.constant 2 : i32
      %mul3A_144 = arith.muli %mul3A_143, %scan3A_137 : i32
      %swap3A = arith.index_cast %mul3A_144 : i32 to index
      %swap3A_145 = arith.constant 0 : index
      %swap3A_146 = tpu.vector_load %arg14[%swap3A, %swap3A_145] {strides = array<i32>} : memref<400x64xf32, #tpu.memory_space<vmem>>, vector<1x16xf32>,
      %swap3A_147 = vector.shape_cast %swap3A_146 : vector<1x16xf32> to vector<16xf32>
      %swap3A_148 = vector.shape_cast %add3A_142 : vector<16xf32> to vector<1x16xf32>
      tpu.vector_store %arg14[%swap3A, %swap3A_145], %swap3A_148 {strides = array<i32>} : memref<400x64xf32, #tpu.memory_space<vmem>>, vector<1x16xf32>,
      %add3A_149 = arith.addf %get3A_141, %get3A_75 : vector<16xf32>
      %mul3A_150 = arith.constant 2 : i32
      %mul3A_151 = arith.muli %mul3A_150, %scan3A_137 : i32
      %add3A_152 = arith.constant 1 : i32
      %add3A_153 = arith.addi %mul3A_151, %add3A_152 : i32
      %swap3A_154 = arith.index_cast %add3A_153 : i32 to index
      %swap3A_155 = arith.constant 0 : index
      %swap3A_156 = tpu.vector_load %arg14[%swap3A_154, %swap3A_155] {strides = array<i32>} : memref<400x64xf32, #tpu.memory_space<vmem>>, vector<1x16xf32>,
      %swap3A_157 = vector.shape_cast %swap3A_156 : vector<1x16xf32> to vector<16xf32>
      %swap3A_158 = vector.shape_cast %add3A_149 : vector<16xf32> to vector<1x16xf32>
      tpu.vector_store %arg14[%swap3A_154, %swap3A_155], %swap3A_158 {strides = array<i32>} : memref<400x64xf32, #tpu.memory_space<vmem>>, vector<1x16xf32>,
      %get3A_159 = arith.index_cast %scan3A_137 : i32 to index
      %get3A_160 = arith.constant 16 : index
      %get3A_161 = tpu.vector_load %arg13[%get3A_159, %get3A_160] {strides = array<i32>} : memref<200x64xf32, #tpu.memory_space<vmem>>, vector<1x16xf32>,
      %get3A_162 = vector.shape_cast %get3A_161 : vector<1x16xf32> to vector<16xf32>
      %add3A_163 = arith.addf %get3A_162, %get3A_60 : vector<16xf32>
      %mul3A_164 = arith.constant 2 : i32
      %mul3A_165 = arith.muli %mul3A_164, %scan3A_137 : i32
      %swap3A_166 = arith.index_cast %mul3A_165 : i32 to index
      %swap3A_167 = arith.constant 16 : index
      %swap3A_168 = tpu.vector_load %arg14[%swap3A_166, %swap3A_167] {strides = array<i32>} : memref<400x64xf32, #tpu.memory_space<vmem>>, vector<1x16xf32>,
      %swap3A_169 = vector.shape_cast %swap3A_168 : vector<1x16xf32> to vector<16xf32>
      %swap3A_170 = vector.shape_cast %add3A_163 : vector<16xf32> to vector<1x16xf32>
      tpu.vector_store %arg14[%swap3A_166, %swap3A_167], %swap3A_170 {strides = array<i32>} : memref<400x64xf32, #tpu.memory_space<vmem>>, vector<1x16xf32>,
      %add3A_171 = arith.addf %get3A_162, %get3A_80 : vector<16xf32>
      %mul3A_172 = arith.constant 2 : i32
      %mul3A_173 = arith.muli %mul3A_172, %scan3A_137 : i32
      %add3A_174 = arith.constant 1 : i32
      %add3A_175 = arith.addi %mul3A_173, %add3A_174 : i32
      %swap3A_176 = arith.index_cast %add3A_175 : i32 to index
      %swap3A_177 = arith.constant 16 : index
      %swap3A_178 = tpu.vector_load %arg14[%swap3A_176, %swap3A_177] {strides = array<i32>} : memref<400x64xf32, #tpu.memory_space<vmem>>, vector<1x16xf32>,
      %swap3A_179 = vector.shape_cast %swap3A_178 : vector<1x16xf32> to vector<16xf32>
      %swap3A_180 = vector.shape_cast %add3A_171 : vector<16xf32> to vector<1x16xf32>
      tpu.vector_store %arg14[%swap3A_176, %swap3A_177], %swap3A_180 {strides = array<i32>} : memref<400x64xf32, #tpu.memory_space<vmem>>, vector<1x16xf32>,
      %get3A_181 = arith.index_cast %scan3A_137 : i32 to index
      %get3A_182 = arith.constant 32 : index
      %get3A_183 = tpu.vector_load %arg13[%get3A_181, %get3A_182] {strides = array<i32>} : memref<200x64xf32, #tpu.memory_space<vmem>>, vector<1x16xf32>,
      %get3A_184 = vector.shape_cast %get3A_183 : vector<1x16xf32> to vector<16xf32>
      %add3A_185 = arith.addf %get3A_184, %get3A_65 : vector<16xf32>
      %mul3A_186 = arith.constant 2 : i32
      %mul3A_187 = arith.muli %mul3A_186, %scan3A_137 : i32
      %swap3A_188 = arith.index_cast %mul3A_187 : i32 to index
      %swap3A_189 = arith.constant 32 : index
      %swap3A_190 = tpu.vector_load %arg14[%swap3A_188, %swap3A_189] {strides = array<i32>} : memref<400x64xf32, #tpu.memory_space<vmem>>, vector<1x16xf32>,
      %swap3A_191 = vector.shape_cast %swap3A_190 : vector<1x16xf32> to vector<16xf32>
      %swap3A_192 = vector.shape_cast %add3A_185 : vector<16xf32> to vector<1x16xf32>
      tpu.vector_store %arg14[%swap3A_188, %swap3A_189], %swap3A_192 {strides = array<i32>} : memref<400x64xf32, #tpu.memory_space<vmem>>, vector<1x16xf32>,
      %add3A_193 = arith.addf %get3A_184, %get3A_85 : vector<16xf32>
      %mul3A_194 = arith.constant 2 : i32
      %mul3A_195 = arith.muli %mul3A_194, %scan3A_137 : i32
      %add3A_196 = arith.constant 1 : i32
      %add3A_197 = arith.addi %mul3A_195, %add3A_196 : i32
      %swap3A_198 = arith.index_cast %add3A_197 : i32 to index
      %swap3A_199 = arith.constant 32 : index
      %swap3A_200 = tpu.vector_load %arg14[%swap3A_198, %swap3A_199] {strides = array<i32>} : memref<400x64xf32, #tpu.memory_space<vmem>>, vector<1x16xf32>,
      %swap3A_201 = vector.shape_cast %swap3A_200 : vector<1x16xf32> to vector<16xf32>
      %swap3A_202 = vector.shape_cast %add3A_193 : vector<16xf32> to vector<1x16xf32>
      tpu.vector_store %arg14[%swap3A_198, %swap3A_199], %swap3A_202 {strides = array<i32>} : memref<400x64xf32, #tpu.memory_space<vmem>>, vector<1x16xf32>,
      %get3A_203 = arith.index_cast %scan3A_137 : i32 to index
      %get3A_204 = arith.constant 48 : index
      %get3A_205 = tpu.vector_load %arg13[%get3A_203, %get3A_204] {strides = array<i32>} : memref<200x64xf32, #tpu.memory_space<vmem>>, vector<1x16xf32>,
      %get3A_206 = vector.shape_cast %get3A_205 : vector<1x16xf32> to vector<16xf32>
      %add3A_207 = arith.addf %get3A_206, %get3A_70 : vector<16xf32>
      %mul3A_208 = arith.constant 2 : i32
      %mul3A_209 = arith.muli %mul3A_208, %scan3A_137 : i32
      %swap3A_210 = arith.index_cast %mul3A_209 : i32 to index
      %swap3A_211 = arith.constant 48 : index
      %swap3A_212 = tpu.vector_load %arg14[%swap3A_210, %swap3A_211] {strides = array<i32>} : memref<400x64xf32, #tpu.memory_space<vmem>>, vector<1x16xf32>,
      %swap3A_213 = vector.shape_cast %swap3A_212 : vector<1x16xf32> to vector<16xf32>
      %swap3A_214 = vector.shape_cast %add3A_207 : vector<16xf32> to vector<1x16xf32>
      tpu.vector_store %arg14[%swap3A_210, %swap3A_211], %swap3A_214 {strides = array<i32>} : memref<400x64xf32, #tpu.memory_space<vmem>>, vector<1x16xf32>,
      %add3A_215 = arith.addf %get3A_206, %get3A_90 : vector<16xf32>
      %mul3A_216 = arith.constant 2 : i32
      %mul3A_217 = arith.muli %mul3A_216, %scan3A_137 : i32
      %add3A_218 = arith.constant 1 : i32
      %add3A_219 = arith.addi %mul3A_217, %add3A_218 : i32
      %swap3A_220 = arith.index_cast %add3A_219 : i32 to index
      %swap3A_221 = arith.constant 48 : index
      %swap3A_222 = tpu.vector_load %arg14[%swap3A_220, %swap3A_221] {strides = array<i32>} : memref<400x64xf32, #tpu.memory_space<vmem>>, vector<1x16xf32>,
      %swap3A_223 = vector.shape_cast %swap3A_222 : vector<1x16xf32> to vector<16xf32>
      %swap3A_224 = vector.shape_cast %add3A_215 : vector<16xf32> to vector<1x16xf32>
      tpu.vector_store %arg14[%swap3A_220, %swap3A_221], %swap3A_224 {strides = array<i32>} : memref<400x64xf32, #tpu.memory_space<vmem>>, vector<1x16xf32>,
    }
    %scan3A_95 = arith.constant 200 : i32
    %iota3A = tpu.iota {dimensions = array<i32: 0>} : vector<16xi32>
    %scan3A_96 = arith.constant 0 : i32
    %scan3A_97 = arith.constant 0 : i32
    %scan3A_98 = arith.constant 400 : i32
    %scan3A_99 = arith.addi %scan3A_97, %scan3A_98 : i32
    %scan3A_100 = arith.constant 1 : i32
    scf.for %scan3A_137 = %scan3A_97 to %scan3A_99 step %scan3A_100  : i32 {
      %mul3A_138 = arith.constant 16 : i32
      %mul3A_139 = arith.muli %scan3A_137, %mul3A_138 : i32
      %mul3A_140 = arith.constant 16 : i32
      %mul3A_141 = arith.muli %scan3A_137, %mul3A_140 : i32
      %add3A_142 = vector.broadcast %mul3A_141 : i32 to vector<16xi32>
      %add3A_143 = arith.addi %iota3A, %add3A_142 : vector<16xi32>
      %rem3A = arith.constant 200 : i32
      %rem3A_144 = vector.broadcast %rem3A : i32 to vector<16xi32>
      %rem3A_145 = arith.remsi %add3A_143, %rem3A_144 : vector<16xi32>
      %mul3A_146 = arith.constant 2 : i32
      %mul3A_147 = vector.broadcast %mul3A_146 : i32 to vector<16xi32>
      %mul3A_148 = arith.muli %mul3A_147, %rem3A_145 : vector<16xi32>
      %get3A_149 = arith.index_cast %mul3A_139 : i32 to index
      %get3A_150 = tpu.vector_load %arg9[%get3A_149] {strides = array<i32>} : memref<6400xi32, #tpu.memory_space<vmem>>, vector<16xi32>,
      %get3A_151 = vector.shape_cast %get3A_150 : vector<16xi32> to vector<16xi32>
      %add3A_152 = arith.addi %mul3A_148, %get3A_151 : vector<16xi32>
      %swap3A = arith.index_cast %mul3A_139 : i32 to index
      %swap3A_153 = tpu.vector_load %arg15[%swap3A] {strides = array<i32>} : memref<6416xi32, #tpu.memory_space<vmem>>, vector<16xi32>,
      %swap3A_154 = vector.shape_cast %swap3A_153 : vector<16xi32> to vector<16xi32>
      %swap3A_155 = vector.shape_cast %add3A_152 : vector<16xi32> to vector<16xi32>
      tpu.vector_store %arg15[%swap3A], %swap3A_155 {strides = array<i32>} : memref<6416xi32, #tpu.memory_space<vmem>>, vector<16xi32>,
    }
    %scan3A_101 = arith.constant 400 : i32
    %scan3A_102 = arith.constant 0 : i32
    %scan3A_103 = arith.constant 0 : i32
    %scan3A_104 = arith.constant 9 : i32
    %scan3A_105 = arith.addi %scan3A_103, %scan3A_104 : i32
    %scan3A_106 = arith.constant 1 : i32
    scf.for %scan3A_137 = %scan3A_103 to %scan3A_105 step %scan3A_106  : i32 {
      %mul3A_138 = arith.constant 3 : i32
      %mul3A_139 = arith.muli %mul3A_138, %scan3A_137 : i32
      %add3A_140 = arith.constant 0 : i32
      %add3A_141 = arith.addi %mul3A_139, %add3A_140 : i32
      %lt3A = arith.constant 25 : i32
      %lt3A_142 = arith.cmpi slt, %add3A_141, %lt3A : i32
      %convert_element_type3A = arith.extui %lt3A_142 : i1 to i32
      %cond3A = arith.constant 0 : i32
      %cond3A_143 = arith.cmpi ne, %convert_element_type3A, %cond3A : i32
      scf.if %cond3A_143 {
        %add3A_162 = arith.constant 3 : i32
        %add3A_163 = arith.addi %add3A_141, %add3A_162 : i32
        %sub3A = arith.constant 1 : i32
        %sub3A_164 = arith.subi %add3A_163, %sub3A : i32
        %lt3A_165 = arith.constant 25 : i32
        %lt3A_166 = arith.cmpi slt, %sub3A_164, %lt3A_165 : i32
        %convert_element_type3A_167 = arith.extui %lt3A_166 : i1 to i32
        %cond3A_168 = arith.constant 0 : i32
        %cond3A_169 = arith.cmpi ne, %convert_element_type3A_167, %cond3A_168 : i32
        scf.if %cond3A_169 {
          %ge3A = arith.constant 1 : i32
          %ge3A_193 = arith.cmpi sge, %add3A_141, %ge3A : i32
          %convert_element_type3A_194 = arith.extui %ge3A_193 : i1 to i32
          %cond3A_195 = arith.constant 0 : i32
          %cond3A_196 = arith.cmpi ne, %convert_element_type3A_194, %cond3A_195 : i32
          scf.if %cond3A_196 {
            %sub3A_229 = arith.constant 1 : i32
            %sub3A_230 = arith.subi %add3A_141, %sub3A_229 : i32
            %mul3A_231 = arith.constant 50 : i32
            %mul3A_232 = arith.muli %add3A, %mul3A_231 : i32
            %mul3A_233 = arith.constant 2 : i32
            %mul3A_234 = arith.muli %mul3A_233, %sub3A_230 : i32
            %add3A_235 = arith.addi %mul3A_232, %mul3A_234 : i32
            %dma_wait3A_236 = arith.constant 0 : i32
            %dma_wait3A_237 = arith.constant 0 : i32
            %dma_wait3A_238 = tpu.memref_slice %arg7[%add3A_235, %dma_wait3A_236, %dma_wait3A_237] : memref<1600x128x64xf32, #tpu.memory_space<hbm>> -> memref<2x128x64xf32, #tpu.memory_space<hbm>>
            %dma_wait3A_239 = arith.constant 0 : i32
            %dma_wait3A_240 = arith.constant 0 : i32
            %dma_wait3A_241 = tpu.memref_slice %arg7[%add3A_235, %dma_wait3A_239, %dma_wait3A_240] : memref<1600x128x64xf32, #tpu.memory_space<hbm>> -> memref<2x128x64xf32, #tpu.memory_space<hbm>>
            tpu.wait_dma2 semaphore(%arg22 : memref<!tpu.dma_semaphore, #tpu.memory_space<semaphore_mem>>) src(%arg12 : memref<2x128x64xf32, #tpu.memory_space<vmem>>) dst(%dma_wait3A_241 : memref<2x128x64xf32, #tpu.memory_space<hbm>>)
          } else {
          }
          %add3A_197 = arith.constant 3 : i32
          %add3A_198 = arith.addi %add3A_141, %add3A_197 : i32
          %sub3A_199 = arith.constant 1 : i32
          %sub3A_200 = arith.subi %add3A_198, %sub3A_199 : i32
          %mul3A_201 = arith.constant 2 : i32
          %mul3A_202 = arith.muli %mul3A_201, %sub3A_200 : i32
          %dma_start3A_203 = arith.constant 0 : i32
          %dma_start3A_204 = arith.constant 0 : i32
          %dma_start3A_205 = arith.constant 0 : i32
          %dma_start3A_206 = tpu.memref_slice %arg12[%dma_start3A_203, %dma_start3A_204, %dma_start3A_205] : memref<2x128x64xf32, #tpu.memory_space<vmem>> -> memref<1x128x64xf32, #tpu.memory_space<vmem>>
          %dma_start3A_207 = tpu.memref_squeeze %dma_start3A_206 : memref<1x128x64xf32, #tpu.memory_space<vmem>> -> memref<128x64xf32, #tpu.memory_space<vmem>>
          %dma_start3A_208 = arith.constant 0 : i32
          %dma_start3A_209 = tpu.memref_slice %arg8[%mul3A_202, %dma_start3A_208] : memref<50x128xi32, #tpu.memory_space<vmem>> -> memref<1x128xi32, #tpu.memory_space<vmem>>
          %dma_start3A_210 = tpu.memref_squeeze %dma_start3A_209 : memref<1x128xi32, #tpu.memory_space<vmem>> -> memref<128xi32, #tpu.memory_space<vmem>>
          %dma_start3A_211 = arith.constant 0 : i32
          %dma_start3A_212 = arith.constant 0 : i32
          %dma_start3A_213 = tpu.memref_slice %arg4[%dma_start3A_211, %dma_start3A_212] : memref<100000x64xf32, #tpu.memory_space<hbm>> -> memref<100000x64xf32, #tpu.memory_space<hbm>>
          tpu.enqueue_indirect_dma source(%dma_start3A_213 : memref<100000x64xf32, #tpu.memory_space<hbm>>) target(%dma_start3A_207 : memref<128x64xf32, #tpu.memory_space<vmem>>) offsets(%dma_start3A_210 : memref<128xi32, #tpu.memory_space<vmem>>) semaphore(%arg19 : memref<!tpu.dma_semaphore, #tpu.memory_space<semaphore_mem>>)
          %mul3A_214 = arith.constant 2 : i32
          %mul3A_215 = arith.muli %mul3A_214, %sub3A_200 : i32
          %add3A_216 = arith.constant 1 : i32
          %add3A_217 = arith.addi %mul3A_215, %add3A_216 : i32
          %dma_start3A_218 = arith.constant 1 : i32
          %dma_start3A_219 = arith.constant 0 : i32
          %dma_start3A_220 = arith.constant 0 : i32
          %dma_start3A_221 = tpu.memref_slice %arg12[%dma_start3A_218, %dma_start3A_219, %dma_start3A_220] : memref<2x128x64xf32, #tpu.memory_space<vmem>> -> memref<1x128x64xf32, #tpu.memory_space<vmem>>
          %dma_start3A_222 = tpu.memref_squeeze %dma_start3A_221 : memref<1x128x64xf32, #tpu.memory_space<vmem>> -> memref<128x64xf32, #tpu.memory_space<vmem>>
          %dma_start3A_223 = arith.constant 0 : i32
          %dma_start3A_224 = tpu.memref_slice %arg8[%add3A_217, %dma_start3A_223] : memref<50x128xi32, #tpu.memory_space<vmem>> -> memref<1x128xi32, #tpu.memory_space<vmem>>
          %dma_start3A_225 = tpu.memref_squeeze %dma_start3A_224 : memref<1x128xi32, #tpu.memory_space<vmem>> -> memref<128xi32, #tpu.memory_space<vmem>>
          %dma_start3A_226 = arith.constant 0 : i32
          %dma_start3A_227 = arith.constant 0 : i32
          %dma_start3A_228 = tpu.memref_slice %arg4[%dma_start3A_226, %dma_start3A_227] : memref<100000x64xf32, #tpu.memory_space<hbm>> -> memref<100000x64xf32, #tpu.memory_space<hbm>>
          tpu.enqueue_indirect_dma source(%dma_start3A_228 : memref<100000x64xf32, #tpu.memory_space<hbm>>) target(%dma_start3A_222 : memref<128x64xf32, #tpu.memory_space<vmem>>) offsets(%dma_start3A_225 : memref<128xi32, #tpu.memory_space<vmem>>) semaphore(%arg19 : memref<!tpu.dma_semaphore, #tpu.memory_space<semaphore_mem>>)
        } else {
        }
        %mul3A_170 = arith.constant 50 : i32
        %mul3A_171 = arith.muli %add3A, %mul3A_170 : i32
        %add3A_172 = arith.constant 0 : i32
        %add3A_173 = arith.addi %mul3A_171, %add3A_172 : i32
        %dma_wait3A_174 = arith.constant 0 : i32
        %dma_wait3A_175 = arith.constant 0 : i32
        %dma_wait3A_176 = tpu.memref_slice %arg7[%add3A_173, %dma_wait3A_174, %dma_wait3A_175] : memref<1600x128x64xf32, #tpu.memory_space<hbm>> -> memref<2x128x64xf32, #tpu.memory_space<hbm>>
        %dma_wait3A_177 = arith.constant 0 : i32
        %dma_wait3A_178 = arith.constant 0 : i32
        %dma_wait3A_179 = tpu.memref_slice %arg7[%add3A_173, %dma_wait3A_177, %dma_wait3A_178] : memref<1600x128x64xf32, #tpu.memory_space<hbm>> -> memref<2x128x64xf32, #tpu.memory_space<hbm>>
        tpu.wait_dma2 semaphore(%arg17 : memref<!tpu.dma_semaphore, #tpu.memory_space<semaphore_mem>>) src(%dma_wait3A_179 : memref<2x128x64xf32, #tpu.memory_space<hbm>>) dst(%arg10 : memref<2x128x64xf32, #tpu.memory_space<vmem>>)
        %parallel_loop3A = arith.constant 0 : i32
        %parallel_loop3A_180 = arith.constant 256 : i32
        %parallel_loop3A_181 = arith.constant 1 : i32
        scf.for %parallel_loop3A_193 = %parallel_loop3A to %parallel_loop3A_180 step %parallel_loop3A_181  : i32 {
          %parallel_loop3A_194 = arith.constant 256 : i32
          %parallel_loop3A_195 = arith.muli %add3A_141, %parallel_loop3A_194 : i32
          %parallel_loop3A_196 = arith.addi %parallel_loop3A_195, %parallel_loop3A_193 : i32
          %parallel_loop3A_197 = arith.index_cast %parallel_loop3A_196 : i32 to index
          %parallel_loop3A_198 = tpu.vector_load %arg15[%parallel_loop3A_197] {strides = array<i32>} : memref<6416xi32, #tpu.memory_space<vmem>>, vector<16xi32>,
          %parallel_loop3A_199 = vector.shape_cast %parallel_loop3A_198 : vector<16xi32> to vector<16xi32>
          %parallel_loop3A_200 = vector.extract_strided_slice %parallel_loop3A_199 {offsets = [0], sizes = [1], strides = [1]} : vector<16xi32> to vector<1xi32>
          %parallel_loop3A_201 = vector.extract %parallel_loop3A_200[0] : i32 from vector<1xi32>
          %parallel_loop3A_202 = arith.constant 128 : i32
          %parallel_loop3A_203 = arith.divsi %parallel_loop3A_193, %parallel_loop3A_202 : i32
          %parallel_loop3A_204 = arith.constant 0 : i32
          %parallel_loop3A_205 = arith.cmpi sgt, %parallel_loop3A_193, %parallel_loop3A_204 : i32
          %parallel_loop3A_206 = arith.extui %parallel_loop3A_205 : i1 to i32
          %parallel_loop3A_207 = arith.constant 0 : i32
          %parallel_loop3A_208 = arith.cmpi slt, %parallel_loop3A_193, %parallel_loop3A_207 : i32
          %parallel_loop3A_209 = arith.extui %parallel_loop3A_208 : i1 to i32
          %parallel_loop3A_210 = arith.subi %parallel_loop3A_206, %parallel_loop3A_209 : i32
          %parallel_loop3A_211 = arith.constant 0 : i32
          %parallel_loop3A_212 = arith.cmpi sgt, %parallel_loop3A_202, %parallel_loop3A_211 : i32
          %parallel_loop3A_213 = arith.extui %parallel_loop3A_212 : i1 to i32
          %parallel_loop3A_214 = arith.constant 0 : i32
          %parallel_loop3A_215 = arith.cmpi slt, %parallel_loop3A_202, %parallel_loop3A_214 : i32
          %parallel_loop3A_216 = arith.extui %parallel_loop3A_215 : i1 to i32
          %parallel_loop3A_217 = arith.subi %parallel_loop3A_213, %parallel_loop3A_216 : i32
          %parallel_loop3A_218 = arith.cmpi ne, %parallel_loop3A_210, %parallel_loop3A_217 : i32
          %parallel_loop3A_219 = arith.remsi %parallel_loop3A_193, %parallel_loop3A_202 : i32
          %parallel_loop3A_220 = arith.constant 0 : i32
          %parallel_loop3A_221 = arith.cmpi ne, %parallel_loop3A_219, %parallel_loop3A_220 : i32
          %parallel_loop3A_222 = arith.andi %parallel_loop3A_218, %parallel_loop3A_221 : i1
          %parallel_loop3A_223 = arith.constant 1 : i32
          %parallel_loop3A_224 = arith.subi %parallel_loop3A_203, %parallel_loop3A_223 : i32
          %parallel_loop3A_225 = arith.select %parallel_loop3A_222, %parallel_loop3A_224, %parallel_loop3A_203 : i32
          %parallel_loop3A_226 = arith.constant 128 : i32
          %parallel_loop3A_227 = arith.constant 0 : i32
          %parallel_loop3A_228 = arith.cmpi eq, %parallel_loop3A_226, %parallel_loop3A_227 : i32
          %parallel_loop3A_229 = arith.constant 1 : i32
          %parallel_loop3A_230 = arith.select %parallel_loop3A_228, %parallel_loop3A_229, %parallel_loop3A_226 : i32
          %parallel_loop3A_231 = arith.remsi %parallel_loop3A_193, %parallel_loop3A_230 : i32
          %parallel_loop3A_232 = arith.constant 0 : i32
          %parallel_loop3A_233 = arith.cmpi ne, %parallel_loop3A_231, %parallel_loop3A_232 : i32
          %parallel_loop3A_234 = arith.constant 0 : i32
          %parallel_loop3A_235 = arith.cmpi slt, %parallel_loop3A_231, %parallel_loop3A_234 : i32
          %parallel_loop3A_236 = arith.constant 0 : i32
          %parallel_loop3A_237 = arith.cmpi slt, %parallel_loop3A_230, %parallel_loop3A_236 : i32
          %parallel_loop3A_238 = arith.xori %parallel_loop3A_235, %parallel_loop3A_237 : i1
          %parallel_loop3A_239 = arith.andi %parallel_loop3A_238, %parallel_loop3A_233 : i1
          %parallel_loop3A_240 = arith.addi %parallel_loop3A_231, %parallel_loop3A_230 : i32
          %parallel_loop3A_241 = arith.select %parallel_loop3A_239, %parallel_loop3A_240, %parallel_loop3A_231 : i32
          %parallel_loop3A_242 = arith.index_cast %parallel_loop3A_225 : i32 to index
          %parallel_loop3A_243 = arith.index_cast %parallel_loop3A_241 : i32 to index
          %parallel_loop3A_244 = arith.constant 0 : index
          %parallel_loop3A_245 = tpu.vector_load %arg10[%parallel_loop3A_242, %parallel_loop3A_243, %parallel_loop3A_244] {strides = array<i32>} : memref<2x128x64xf32, #tpu.memory_space<vmem>>, vector<1x1x16xf32>,
          %parallel_loop3A_246 = vector.shape_cast %parallel_loop3A_245 : vector<1x1x16xf32> to vector<16xf32>
          %parallel_loop3A_247 = arith.index_cast %parallel_loop3A_201 : i32 to index
          %parallel_loop3A_248 = arith.constant 0 : index
          %parallel_loop3A_249 = tpu.vector_load %arg14[%parallel_loop3A_247, %parallel_loop3A_248] {strides = array<i32>} : memref<400x64xf32, #tpu.memory_space<vmem>>, vector<1x16xf32>,
          %parallel_loop3A_250 = vector.shape_cast %parallel_loop3A_249 : vector<1x16xf32> to vector<16xf32>
          %parallel_loop3A_251 = arith.addf %parallel_loop3A_246, %parallel_loop3A_250 : vector<16xf32>
          %parallel_loop3A_252 = arith.index_cast %parallel_loop3A_225 : i32 to index
          %parallel_loop3A_253 = arith.index_cast %parallel_loop3A_241 : i32 to index
          %parallel_loop3A_254 = arith.constant 0 : index
          %parallel_loop3A_255 = tpu.vector_load %arg10[%parallel_loop3A_252, %parallel_loop3A_253, %parallel_loop3A_254] {strides = array<i32>} : memref<2x128x64xf32, #tpu.memory_space<vmem>>, vector<1x1x16xf32>,
          %parallel_loop3A_256 = vector.shape_cast %parallel_loop3A_255 : vector<1x1x16xf32> to vector<16xf32>
          %parallel_loop3A_257 = vector.shape_cast %parallel_loop3A_251 : vector<16xf32> to vector<1x1x16xf32>
          tpu.vector_store %arg10[%parallel_loop3A_252, %parallel_loop3A_253, %parallel_loop3A_254], %parallel_loop3A_257 {strides = array<i32>} : memref<2x128x64xf32, #tpu.memory_space<vmem>>, vector<1x1x16xf32>,
          %parallel_loop3A_258 = arith.index_cast %parallel_loop3A_225 : i32 to index
          %parallel_loop3A_259 = arith.index_cast %parallel_loop3A_241 : i32 to index
          %parallel_loop3A_260 = arith.constant 16 : index
          %parallel_loop3A_261 = tpu.vector_load %arg10[%parallel_loop3A_258, %parallel_loop3A_259, %parallel_loop3A_260] {strides = array<i32>} : memref<2x128x64xf32, #tpu.memory_space<vmem>>, vector<1x1x16xf32>,
          %parallel_loop3A_262 = vector.shape_cast %parallel_loop3A_261 : vector<1x1x16xf32> to vector<16xf32>
          %parallel_loop3A_263 = arith.index_cast %parallel_loop3A_201 : i32 to index
          %parallel_loop3A_264 = arith.constant 16 : index
          %parallel_loop3A_265 = tpu.vector_load %arg14[%parallel_loop3A_263, %parallel_loop3A_264] {strides = array<i32>} : memref<400x64xf32, #tpu.memory_space<vmem>>, vector<1x16xf32>,
          %parallel_loop3A_266 = vector.shape_cast %parallel_loop3A_265 : vector<1x16xf32> to vector<16xf32>
          %parallel_loop3A_267 = arith.addf %parallel_loop3A_262, %parallel_loop3A_266 : vector<16xf32>
          %parallel_loop3A_268 = arith.index_cast %parallel_loop3A_225 : i32 to index
          %parallel_loop3A_269 = arith.index_cast %parallel_loop3A_241 : i32 to index
          %parallel_loop3A_270 = arith.constant 16 : index
          %parallel_loop3A_271 = tpu.vector_load %arg10[%parallel_loop3A_268, %parallel_loop3A_269, %parallel_loop3A_270] {strides = array<i32>} : memref<2x128x64xf32, #tpu.memory_space<vmem>>, vector<1x1x16xf32>,
          %parallel_loop3A_272 = vector.shape_cast %parallel_loop3A_271 : vector<1x1x16xf32> to vector<16xf32>
          %parallel_loop3A_273 = vector.shape_cast %parallel_loop3A_267 : vector<16xf32> to vector<1x1x16xf32>
          tpu.vector_store %arg10[%parallel_loop3A_268, %parallel_loop3A_269, %parallel_loop3A_270], %parallel_loop3A_273 {strides = array<i32>} : memref<2x128x64xf32, #tpu.memory_space<vmem>>, vector<1x1x16xf32>,
          %parallel_loop3A_274 = arith.index_cast %parallel_loop3A_225 : i32 to index
          %parallel_loop3A_275 = arith.index_cast %parallel_loop3A_241 : i32 to index
          %parallel_loop3A_276 = arith.constant 32 : index
          %parallel_loop3A_277 = tpu.vector_load %arg10[%parallel_loop3A_274, %parallel_loop3A_275, %parallel_loop3A_276] {strides = array<i32>} : memref<2x128x64xf32, #tpu.memory_space<vmem>>, vector<1x1x16xf32>,
          %parallel_loop3A_278 = vector.shape_cast %parallel_loop3A_277 : vector<1x1x16xf32> to vector<16xf32>
          %parallel_loop3A_279 = arith.index_cast %parallel_loop3A_201 : i32 to index
          %parallel_loop3A_280 = arith.constant 32 : index
          %parallel_loop3A_281 = tpu.vector_load %arg14[%parallel_loop3A_279, %parallel_loop3A_280] {strides = array<i32>} : memref<400x64xf32, #tpu.memory_space<vmem>>, vector<1x16xf32>,
          %parallel_loop3A_282 = vector.shape_cast %parallel_loop3A_281 : vector<1x16xf32> to vector<16xf32>
          %parallel_loop3A_283 = arith.addf %parallel_loop3A_278, %parallel_loop3A_282 : vector<16xf32>
          %parallel_loop3A_284 = arith.index_cast %parallel_loop3A_225 : i32 to index
          %parallel_loop3A_285 = arith.index_cast %parallel_loop3A_241 : i32 to index
          %parallel_loop3A_286 = arith.constant 32 : index
          %parallel_loop3A_287 = tpu.vector_load %arg10[%parallel_loop3A_284, %parallel_loop3A_285, %parallel_loop3A_286] {strides = array<i32>} : memref<2x128x64xf32, #tpu.memory_space<vmem>>, vector<1x1x16xf32>,
          %parallel_loop3A_288 = vector.shape_cast %parallel_loop3A_287 : vector<1x1x16xf32> to vector<16xf32>
          %parallel_loop3A_289 = vector.shape_cast %parallel_loop3A_283 : vector<16xf32> to vector<1x1x16xf32>
          tpu.vector_store %arg10[%parallel_loop3A_284, %parallel_loop3A_285, %parallel_loop3A_286], %parallel_loop3A_289 {strides = array<i32>} : memref<2x128x64xf32, #tpu.memory_space<vmem>>, vector<1x1x16xf32>,
          %parallel_loop3A_290 = arith.index_cast %parallel_loop3A_225 : i32 to index
          %parallel_loop3A_291 = arith.index_cast %parallel_loop3A_241 : i32 to index
          %parallel_loop3A_292 = arith.constant 48 : index
          %parallel_loop3A_293 = tpu.vector_load %arg10[%parallel_loop3A_290, %parallel_loop3A_291, %parallel_loop3A_292] {strides = array<i32>} : memref<2x128x64xf32, #tpu.memory_space<vmem>>, vector<1x1x16xf32>,
          %parallel_loop3A_294 = vector.shape_cast %parallel_loop3A_293 : vector<1x1x16xf32> to vector<16xf32>
          %parallel_loop3A_295 = arith.index_cast %parallel_loop3A_201 : i32 to index
          %parallel_loop3A_296 = arith.constant 48 : index
          %parallel_loop3A_297 = tpu.vector_load %arg14[%parallel_loop3A_295, %parallel_loop3A_296] {strides = array<i32>} : memref<400x64xf32, #tpu.memory_space<vmem>>, vector<1x16xf32>,
          %parallel_loop3A_298 = vector.shape_cast %parallel_loop3A_297 : vector<1x16xf32> to vector<16xf32>
          %parallel_loop3A_299 = arith.addf %parallel_loop3A_294, %parallel_loop3A_298 : vector<16xf32>
          %parallel_loop3A_300 = arith.index_cast %parallel_loop3A_225 : i32 to index
          %parallel_loop3A_301 = arith.index_cast %parallel_loop3A_241 : i32 to index
          %parallel_loop3A_302 = arith.constant 48 : index
          %parallel_loop3A_303 = tpu.vector_load %arg10[%parallel_loop3A_300, %parallel_loop3A_301, %parallel_loop3A_302] {strides = array<i32>} : memref<2x128x64xf32, #tpu.memory_space<vmem>>, vector<1x1x16xf32>,
          %parallel_loop3A_304 = vector.shape_cast %parallel_loop3A_303 : vector<1x1x16xf32> to vector<16xf32>
          %parallel_loop3A_305 = vector.shape_cast %parallel_loop3A_299 : vector<16xf32> to vector<1x1x16xf32>
          tpu.vector_store %arg10[%parallel_loop3A_300, %parallel_loop3A_301, %parallel_loop3A_302], %parallel_loop3A_305 {strides = array<i32>} : memref<2x128x64xf32, #tpu.memory_space<vmem>>, vector<1x1x16xf32>,
        } {sc.loop_unroll_factor = 8 : i64, sc.parallel_access}
        %mul3A_182 = arith.constant 50 : i32
        %mul3A_183 = arith.muli %add3A, %mul3A_182 : i32
        %mul3A_184 = arith.constant 2 : i32
        %mul3A_185 = arith.muli %mul3A_184, %add3A_141 : i32
        %add3A_186 = arith.addi %mul3A_183, %mul3A_185 : i32
        %dma_start3A_187 = arith.constant 0 : i32
        %dma_start3A_188 = arith.constant 0 : i32
        %dma_start3A_189 = tpu.memref_slice %arg7[%add3A_186, %dma_start3A_187, %dma_start3A_188] : memref<1600x128x64xf32, #tpu.memory_space<hbm>> -> memref<2x128x64xf32, #tpu.memory_space<hbm>>
        %dma_start3A_190 = arith.constant 0 : i32
        %dma_start3A_191 = arith.constant 0 : i32
        %dma_start3A_192 = tpu.memref_slice %arg7[%add3A_186, %dma_start3A_190, %dma_start3A_191] : memref<1600x128x64xf32, #tpu.memory_space<hbm>> -> memref<2x128x64xf32, #tpu.memory_space<hbm>>
        tpu.enqueue_dma source(%arg10 : memref<2x128x64xf32, #tpu.memory_space<vmem>>) target(%dma_start3A_192 : memref<2x128x64xf32, #tpu.memory_space<hbm>>) target_semaphore(%arg20 : memref<!tpu.dma_semaphore, #tpu.memory_space<semaphore_mem>>)
      } else {
      }
      %mul3A_144 = arith.constant 3 : i32
      %mul3A_145 = arith.muli %mul3A_144, %scan3A_137 : i32
      %add3A_146 = arith.constant 1 : i32
      %add3A_147 = arith.addi %mul3A_145, %add3A_146 : i32
      %lt3A_148 = arith.constant 25 : i32
      %lt3A_149 = arith.cmpi slt, %add3A_147, %lt3A_148 : i32
      %convert_element_type3A_150 = arith.extui %lt3A_149 : i1 to i32
      %cond3A_151 = arith.constant 0 : i32
      %cond3A_152 = arith.cmpi ne, %convert_element_type3A_150, %cond3A_151 : i32
      scf.if %cond3A_152 {
        %add3A_162 = arith.constant 3 : i32
        %add3A_163 = arith.addi %add3A_147, %add3A_162 : i32
        %sub3A = arith.constant 1 : i32
        %sub3A_164 = arith.subi %add3A_163, %sub3A : i32
        %lt3A_165 = arith.constant 25 : i32
        %lt3A_166 = arith.cmpi slt, %sub3A_164, %lt3A_165 : i32
        %convert_element_type3A_167 = arith.extui %lt3A_166 : i1 to i32
        %cond3A_168 = arith.constant 0 : i32
        %cond3A_169 = arith.cmpi ne, %convert_element_type3A_167, %cond3A_168 : i32
        scf.if %cond3A_169 {
          %ge3A = arith.constant 1 : i32
          %ge3A_193 = arith.cmpi sge, %add3A_147, %ge3A : i32
          %convert_element_type3A_194 = arith.extui %ge3A_193 : i1 to i32
          %cond3A_195 = arith.constant 0 : i32
          %cond3A_196 = arith.cmpi ne, %convert_element_type3A_194, %cond3A_195 : i32
          scf.if %cond3A_196 {
            %sub3A_229 = arith.constant 1 : i32
            %sub3A_230 = arith.subi %add3A_147, %sub3A_229 : i32
            %mul3A_231 = arith.constant 50 : i32
            %mul3A_232 = arith.muli %add3A, %mul3A_231 : i32
            %mul3A_233 = arith.constant 2 : i32
            %mul3A_234 = arith.muli %mul3A_233, %sub3A_230 : i32
            %add3A_235 = arith.addi %mul3A_232, %mul3A_234 : i32
            %dma_wait3A_236 = arith.constant 0 : i32
            %dma_wait3A_237 = arith.constant 0 : i32
            %dma_wait3A_238 = tpu.memref_slice %arg7[%add3A_235, %dma_wait3A_236, %dma_wait3A_237] : memref<1600x128x64xf32, #tpu.memory_space<hbm>> -> memref<2x128x64xf32, #tpu.memory_space<hbm>>
            %dma_wait3A_239 = arith.constant 0 : i32
            %dma_wait3A_240 = arith.constant 0 : i32
            %dma_wait3A_241 = tpu.memref_slice %arg7[%add3A_235, %dma_wait3A_239, %dma_wait3A_240] : memref<1600x128x64xf32, #tpu.memory_space<hbm>> -> memref<2x128x64xf32, #tpu.memory_space<hbm>>
            tpu.wait_dma2 semaphore(%arg20 : memref<!tpu.dma_semaphore, #tpu.memory_space<semaphore_mem>>) src(%arg10 : memref<2x128x64xf32, #tpu.memory_space<vmem>>) dst(%dma_wait3A_241 : memref<2x128x64xf32, #tpu.memory_space<hbm>>)
          } else {
          }
          %add3A_197 = arith.constant 3 : i32
          %add3A_198 = arith.addi %add3A_147, %add3A_197 : i32
          %sub3A_199 = arith.constant 1 : i32
          %sub3A_200 = arith.subi %add3A_198, %sub3A_199 : i32
          %mul3A_201 = arith.constant 2 : i32
          %mul3A_202 = arith.muli %mul3A_201, %sub3A_200 : i32
          %dma_start3A_203 = arith.constant 0 : i32
          %dma_start3A_204 = arith.constant 0 : i32
          %dma_start3A_205 = arith.constant 0 : i32
          %dma_start3A_206 = tpu.memref_slice %arg10[%dma_start3A_203, %dma_start3A_204, %dma_start3A_205] : memref<2x128x64xf32, #tpu.memory_space<vmem>> -> memref<1x128x64xf32, #tpu.memory_space<vmem>>
          %dma_start3A_207 = tpu.memref_squeeze %dma_start3A_206 : memref<1x128x64xf32, #tpu.memory_space<vmem>> -> memref<128x64xf32, #tpu.memory_space<vmem>>
          %dma_start3A_208 = arith.constant 0 : i32
          %dma_start3A_209 = tpu.memref_slice %arg8[%mul3A_202, %dma_start3A_208] : memref<50x128xi32, #tpu.memory_space<vmem>> -> memref<1x128xi32, #tpu.memory_space<vmem>>
          %dma_start3A_210 = tpu.memref_squeeze %dma_start3A_209 : memref<1x128xi32, #tpu.memory_space<vmem>> -> memref<128xi32, #tpu.memory_space<vmem>>
          %dma_start3A_211 = arith.constant 0 : i32
          %dma_start3A_212 = arith.constant 0 : i32
          %dma_start3A_213 = tpu.memref_slice %arg4[%dma_start3A_211, %dma_start3A_212] : memref<100000x64xf32, #tpu.memory_space<hbm>> -> memref<100000x64xf32, #tpu.memory_space<hbm>>
          tpu.enqueue_indirect_dma source(%dma_start3A_213 : memref<100000x64xf32, #tpu.memory_space<hbm>>) target(%dma_start3A_207 : memref<128x64xf32, #tpu.memory_space<vmem>>) offsets(%dma_start3A_210 : memref<128xi32, #tpu.memory_space<vmem>>) semaphore(%arg17 : memref<!tpu.dma_semaphore, #tpu.memory_space<semaphore_mem>>)
          %mul3A_214 = arith.constant 2 : i32
          %mul3A_215 = arith.muli %mul3A_214, %sub3A_200 : i32
          %add3A_216 = arith.constant 1 : i32
          %add3A_217 = arith.addi %mul3A_215, %add3A_216 : i32
          %dma_start3A_218 = arith.constant 1 : i32
          %dma_start3A_219 = arith.constant 0 : i32
          %dma_start3A_220 = arith.constant 0 : i32
          %dma_start3A_221 = tpu.memref_slice %arg10[%dma_start3A_218, %dma_start3A_219, %dma_start3A_220] : memref<2x128x64xf32, #tpu.memory_space<vmem>> -> memref<1x128x64xf32, #tpu.memory_space<vmem>>
          %dma_start3A_222 = tpu.memref_squeeze %dma_start3A_221 : memref<1x128x64xf32, #tpu.memory_space<vmem>> -> memref<128x64xf32, #tpu.memory_space<vmem>>
          %dma_start3A_223 = arith.constant 0 : i32
          %dma_start3A_224 = tpu.memref_slice %arg8[%add3A_217, %dma_start3A_223] : memref<50x128xi32, #tpu.memory_space<vmem>> -> memref<1x128xi32, #tpu.memory_space<vmem>>
          %dma_start3A_225 = tpu.memref_squeeze %dma_start3A_224 : memref<1x128xi32, #tpu.memory_space<vmem>> -> memref<128xi32, #tpu.memory_space<vmem>>
          %dma_start3A_226 = arith.constant 0 : i32
          %dma_start3A_227 = arith.constant 0 : i32
          %dma_start3A_228 = tpu.memref_slice %arg4[%dma_start3A_226, %dma_start3A_227] : memref<100000x64xf32, #tpu.memory_space<hbm>> -> memref<100000x64xf32, #tpu.memory_space<hbm>>
          tpu.enqueue_indirect_dma source(%dma_start3A_228 : memref<100000x64xf32, #tpu.memory_space<hbm>>) target(%dma_start3A_222 : memref<128x64xf32, #tpu.memory_space<vmem>>) offsets(%dma_start3A_225 : memref<128xi32, #tpu.memory_space<vmem>>) semaphore(%arg17 : memref<!tpu.dma_semaphore, #tpu.memory_space<semaphore_mem>>)
        } else {
        }
        %mul3A_170 = arith.constant 50 : i32
        %mul3A_171 = arith.muli %add3A, %mul3A_170 : i32
        %add3A_172 = arith.constant 0 : i32
        %add3A_173 = arith.addi %mul3A_171, %add3A_172 : i32
        %dma_wait3A_174 = arith.constant 0 : i32
        %dma_wait3A_175 = arith.constant 0 : i32
        %dma_wait3A_176 = tpu.memref_slice %arg7[%add3A_173, %dma_wait3A_174, %dma_wait3A_175] : memref<1600x128x64xf32, #tpu.memory_space<hbm>> -> memref<2x128x64xf32, #tpu.memory_space<hbm>>
        %dma_wait3A_177 = arith.constant 0 : i32
        %dma_wait3A_178 = arith.constant 0 : i32
        %dma_wait3A_179 = tpu.memref_slice %arg7[%add3A_173, %dma_wait3A_177, %dma_wait3A_178] : memref<1600x128x64xf32, #tpu.memory_space<hbm>> -> memref<2x128x64xf32, #tpu.memory_space<hbm>>
        tpu.wait_dma2 semaphore(%arg18 : memref<!tpu.dma_semaphore, #tpu.memory_space<semaphore_mem>>) src(%dma_wait3A_179 : memref<2x128x64xf32, #tpu.memory_space<hbm>>) dst(%arg11 : memref<2x128x64xf32, #tpu.memory_space<vmem>>)
        %parallel_loop3A = arith.constant 0 : i32
        %parallel_loop3A_180 = arith.constant 256 : i32
        %parallel_loop3A_181 = arith.constant 1 : i32
        scf.for %parallel_loop3A_193 = %parallel_loop3A to %parallel_loop3A_180 step %parallel_loop3A_181  : i32 {
          %parallel_loop3A_194 = arith.constant 256 : i32
          %parallel_loop3A_195 = arith.muli %add3A_147, %parallel_loop3A_194 : i32
          %parallel_loop3A_196 = arith.addi %parallel_loop3A_195, %parallel_loop3A_193 : i32
          %parallel_loop3A_197 = arith.index_cast %parallel_loop3A_196 : i32 to index
          %parallel_loop3A_198 = tpu.vector_load %arg15[%parallel_loop3A_197] {strides = array<i32>} : memref<6416xi32, #tpu.memory_space<vmem>>, vector<16xi32>,
          %parallel_loop3A_199 = vector.shape_cast %parallel_loop3A_198 : vector<16xi32> to vector<16xi32>
          %parallel_loop3A_200 = vector.extract_strided_slice %parallel_loop3A_199 {offsets = [0], sizes = [1], strides = [1]} : vector<16xi32> to vector<1xi32>
          %parallel_loop3A_201 = vector.extract %parallel_loop3A_200[0] : i32 from vector<1xi32>
          %parallel_loop3A_202 = arith.constant 128 : i32
          %parallel_loop3A_203 = arith.divsi %parallel_loop3A_193, %parallel_loop3A_202 : i32
          %parallel_loop3A_204 = arith.constant 0 : i32
          %parallel_loop3A_205 = arith.cmpi sgt, %parallel_loop3A_193, %parallel_loop3A_204 : i32
          %parallel_loop3A_206 = arith.extui %parallel_loop3A_205 : i1 to i32
          %parallel_loop3A_207 = arith.constant 0 : i32
          %parallel_loop3A_208 = arith.cmpi slt, %parallel_loop3A_193, %parallel_loop3A_207 : i32
          %parallel_loop3A_209 = arith.extui %parallel_loop3A_208 : i1 to i32
          %parallel_loop3A_210 = arith.subi %parallel_loop3A_206, %parallel_loop3A_209 : i32
          %parallel_loop3A_211 = arith.constant 0 : i32
          %parallel_loop3A_212 = arith.cmpi sgt, %parallel_loop3A_202, %parallel_loop3A_211 : i32
          %parallel_loop3A_213 = arith.extui %parallel_loop3A_212 : i1 to i32
          %parallel_loop3A_214 = arith.constant 0 : i32
          %parallel_loop3A_215 = arith.cmpi slt, %parallel_loop3A_202, %parallel_loop3A_214 : i32
          %parallel_loop3A_216 = arith.extui %parallel_loop3A_215 : i1 to i32
          %parallel_loop3A_217 = arith.subi %parallel_loop3A_213, %parallel_loop3A_216 : i32
          %parallel_loop3A_218 = arith.cmpi ne, %parallel_loop3A_210, %parallel_loop3A_217 : i32
          %parallel_loop3A_219 = arith.remsi %parallel_loop3A_193, %parallel_loop3A_202 : i32
          %parallel_loop3A_220 = arith.constant 0 : i32
          %parallel_loop3A_221 = arith.cmpi ne, %parallel_loop3A_219, %parallel_loop3A_220 : i32
          %parallel_loop3A_222 = arith.andi %parallel_loop3A_218, %parallel_loop3A_221 : i1
          %parallel_loop3A_223 = arith.constant 1 : i32
          %parallel_loop3A_224 = arith.subi %parallel_loop3A_203, %parallel_loop3A_223 : i32
          %parallel_loop3A_225 = arith.select %parallel_loop3A_222, %parallel_loop3A_224, %parallel_loop3A_203 : i32
          %parallel_loop3A_226 = arith.constant 128 : i32
          %parallel_loop3A_227 = arith.constant 0 : i32
          %parallel_loop3A_228 = arith.cmpi eq, %parallel_loop3A_226, %parallel_loop3A_227 : i32
          %parallel_loop3A_229 = arith.constant 1 : i32
          %parallel_loop3A_230 = arith.select %parallel_loop3A_228, %parallel_loop3A_229, %parallel_loop3A_226 : i32
          %parallel_loop3A_231 = arith.remsi %parallel_loop3A_193, %parallel_loop3A_230 : i32
          %parallel_loop3A_232 = arith.constant 0 : i32
          %parallel_loop3A_233 = arith.cmpi ne, %parallel_loop3A_231, %parallel_loop3A_232 : i32
          %parallel_loop3A_234 = arith.constant 0 : i32
          %parallel_loop3A_235 = arith.cmpi slt, %parallel_loop3A_231, %parallel_loop3A_234 : i32
          %parallel_loop3A_236 = arith.constant 0 : i32
          %parallel_loop3A_237 = arith.cmpi slt, %parallel_loop3A_230, %parallel_loop3A_236 : i32
          %parallel_loop3A_238 = arith.xori %parallel_loop3A_235, %parallel_loop3A_237 : i1
          %parallel_loop3A_239 = arith.andi %parallel_loop3A_238, %parallel_loop3A_233 : i1
          %parallel_loop3A_240 = arith.addi %parallel_loop3A_231, %parallel_loop3A_230 : i32
          %parallel_loop3A_241 = arith.select %parallel_loop3A_239, %parallel_loop3A_240, %parallel_loop3A_231 : i32
          %parallel_loop3A_242 = arith.index_cast %parallel_loop3A_225 : i32 to index
          %parallel_loop3A_243 = arith.index_cast %parallel_loop3A_241 : i32 to index
          %parallel_loop3A_244 = arith.constant 0 : index
          %parallel_loop3A_245 = tpu.vector_load %arg11[%parallel_loop3A_242, %parallel_loop3A_243, %parallel_loop3A_244] {strides = array<i32>} : memref<2x128x64xf32, #tpu.memory_space<vmem>>, vector<1x1x16xf32>,
          %parallel_loop3A_246 = vector.shape_cast %parallel_loop3A_245 : vector<1x1x16xf32> to vector<16xf32>
          %parallel_loop3A_247 = arith.index_cast %parallel_loop3A_201 : i32 to index
          %parallel_loop3A_248 = arith.constant 0 : index
          %parallel_loop3A_249 = tpu.vector_load %arg14[%parallel_loop3A_247, %parallel_loop3A_248] {strides = array<i32>} : memref<400x64xf32, #tpu.memory_space<vmem>>, vector<1x16xf32>,
          %parallel_loop3A_250 = vector.shape_cast %parallel_loop3A_249 : vector<1x16xf32> to vector<16xf32>
          %parallel_loop3A_251 = arith.addf %parallel_loop3A_246, %parallel_loop3A_250 : vector<16xf32>
          %parallel_loop3A_252 = arith.index_cast %parallel_loop3A_225 : i32 to index
          %parallel_loop3A_253 = arith.index_cast %parallel_loop3A_241 : i32 to index
          %parallel_loop3A_254 = arith.constant 0 : index
          %parallel_loop3A_255 = tpu.vector_load %arg11[%parallel_loop3A_252, %parallel_loop3A_253, %parallel_loop3A_254] {strides = array<i32>} : memref<2x128x64xf32, #tpu.memory_space<vmem>>, vector<1x1x16xf32>,
          %parallel_loop3A_256 = vector.shape_cast %parallel_loop3A_255 : vector<1x1x16xf32> to vector<16xf32>
          %parallel_loop3A_257 = vector.shape_cast %parallel_loop3A_251 : vector<16xf32> to vector<1x1x16xf32>
          tpu.vector_store %arg11[%parallel_loop3A_252, %parallel_loop3A_253, %parallel_loop3A_254], %parallel_loop3A_257 {strides = array<i32>} : memref<2x128x64xf32, #tpu.memory_space<vmem>>, vector<1x1x16xf32>,
          %parallel_loop3A_258 = arith.index_cast %parallel_loop3A_225 : i32 to index
          %parallel_loop3A_259 = arith.index_cast %parallel_loop3A_241 : i32 to index
          %parallel_loop3A_260 = arith.constant 16 : index
          %parallel_loop3A_261 = tpu.vector_load %arg11[%parallel_loop3A_258, %parallel_loop3A_259, %parallel_loop3A_260] {strides = array<i32>} : memref<2x128x64xf32, #tpu.memory_space<vmem>>, vector<1x1x16xf32>,
          %parallel_loop3A_262 = vector.shape_cast %parallel_loop3A_261 : vector<1x1x16xf32> to vector<16xf32>
          %parallel_loop3A_263 = arith.index_cast %parallel_loop3A_201 : i32 to index
          %parallel_loop3A_264 = arith.constant 16 : index
          %parallel_loop3A_265 = tpu.vector_load %arg14[%parallel_loop3A_263, %parallel_loop3A_264] {strides = array<i32>} : memref<400x64xf32, #tpu.memory_space<vmem>>, vector<1x16xf32>,
          %parallel_loop3A_266 = vector.shape_cast %parallel_loop3A_265 : vector<1x16xf32> to vector<16xf32>
          %parallel_loop3A_267 = arith.addf %parallel_loop3A_262, %parallel_loop3A_266 : vector<16xf32>
          %parallel_loop3A_268 = arith.index_cast %parallel_loop3A_225 : i32 to index
          %parallel_loop3A_269 = arith.index_cast %parallel_loop3A_241 : i32 to index
          %parallel_loop3A_270 = arith.constant 16 : index
          %parallel_loop3A_271 = tpu.vector_load %arg11[%parallel_loop3A_268, %parallel_loop3A_269, %parallel_loop3A_270] {strides = array<i32>} : memref<2x128x64xf32, #tpu.memory_space<vmem>>, vector<1x1x16xf32>,
          %parallel_loop3A_272 = vector.shape_cast %parallel_loop3A_271 : vector<1x1x16xf32> to vector<16xf32>
          %parallel_loop3A_273 = vector.shape_cast %parallel_loop3A_267 : vector<16xf32> to vector<1x1x16xf32>
          tpu.vector_store %arg11[%parallel_loop3A_268, %parallel_loop3A_269, %parallel_loop3A_270], %parallel_loop3A_273 {strides = array<i32>} : memref<2x128x64xf32, #tpu.memory_space<vmem>>, vector<1x1x16xf32>,
          %parallel_loop3A_274 = arith.index_cast %parallel_loop3A_225 : i32 to index
          %parallel_loop3A_275 = arith.index_cast %parallel_loop3A_241 : i32 to index
          %parallel_loop3A_276 = arith.constant 32 : index
          %parallel_loop3A_277 = tpu.vector_load %arg11[%parallel_loop3A_274, %parallel_loop3A_275, %parallel_loop3A_276] {strides = array<i32>} : memref<2x128x64xf32, #tpu.memory_space<vmem>>, vector<1x1x16xf32>,
          %parallel_loop3A_278 = vector.shape_cast %parallel_loop3A_277 : vector<1x1x16xf32> to vector<16xf32>
          %parallel_loop3A_279 = arith.index_cast %parallel_loop3A_201 : i32 to index
          %parallel_loop3A_280 = arith.constant 32 : index
          %parallel_loop3A_281 = tpu.vector_load %arg14[%parallel_loop3A_279, %parallel_loop3A_280] {strides = array<i32>} : memref<400x64xf32, #tpu.memory_space<vmem>>, vector<1x16xf32>,
          %parallel_loop3A_282 = vector.shape_cast %parallel_loop3A_281 : vector<1x16xf32> to vector<16xf32>
          %parallel_loop3A_283 = arith.addf %parallel_loop3A_278, %parallel_loop3A_282 : vector<16xf32>
          %parallel_loop3A_284 = arith.index_cast %parallel_loop3A_225 : i32 to index
          %parallel_loop3A_285 = arith.index_cast %parallel_loop3A_241 : i32 to index
          %parallel_loop3A_286 = arith.constant 32 : index
          %parallel_loop3A_287 = tpu.vector_load %arg11[%parallel_loop3A_284, %parallel_loop3A_285, %parallel_loop3A_286] {strides = array<i32>} : memref<2x128x64xf32, #tpu.memory_space<vmem>>, vector<1x1x16xf32>,
          %parallel_loop3A_288 = vector.shape_cast %parallel_loop3A_287 : vector<1x1x16xf32> to vector<16xf32>
          %parallel_loop3A_289 = vector.shape_cast %parallel_loop3A_283 : vector<16xf32> to vector<1x1x16xf32>
          tpu.vector_store %arg11[%parallel_loop3A_284, %parallel_loop3A_285, %parallel_loop3A_286], %parallel_loop3A_289 {strides = array<i32>} : memref<2x128x64xf32, #tpu.memory_space<vmem>>, vector<1x1x16xf32>,
          %parallel_loop3A_290 = arith.index_cast %parallel_loop3A_225 : i32 to index
          %parallel_loop3A_291 = arith.index_cast %parallel_loop3A_241 : i32 to index
          %parallel_loop3A_292 = arith.constant 48 : index
          %parallel_loop3A_293 = tpu.vector_load %arg11[%parallel_loop3A_290, %parallel_loop3A_291, %parallel_loop3A_292] {strides = array<i32>} : memref<2x128x64xf32, #tpu.memory_space<vmem>>, vector<1x1x16xf32>,
          %parallel_loop3A_294 = vector.shape_cast %parallel_loop3A_293 : vector<1x1x16xf32> to vector<16xf32>
          %parallel_loop3A_295 = arith.index_cast %parallel_loop3A_201 : i32 to index
          %parallel_loop3A_296 = arith.constant 48 : index
          %parallel_loop3A_297 = tpu.vector_load %arg14[%parallel_loop3A_295, %parallel_loop3A_296] {strides = array<i32>} : memref<400x64xf32, #tpu.memory_space<vmem>>, vector<1x16xf32>,
          %parallel_loop3A_298 = vector.shape_cast %parallel_loop3A_297 : vector<1x16xf32> to vector<16xf32>
          %parallel_loop3A_299 = arith.addf %parallel_loop3A_294, %parallel_loop3A_298 : vector<16xf32>
          %parallel_loop3A_300 = arith.index_cast %parallel_loop3A_225 : i32 to index
          %parallel_loop3A_301 = arith.index_cast %parallel_loop3A_241 : i32 to index
          %parallel_loop3A_302 = arith.constant 48 : index
          %parallel_loop3A_303 = tpu.vector_load %arg11[%parallel_loop3A_300, %parallel_loop3A_301, %parallel_loop3A_302] {strides = array<i32>} : memref<2x128x64xf32, #tpu.memory_space<vmem>>, vector<1x1x16xf32>,
          %parallel_loop3A_304 = vector.shape_cast %parallel_loop3A_303 : vector<1x1x16xf32> to vector<16xf32>
          %parallel_loop3A_305 = vector.shape_cast %parallel_loop3A_299 : vector<16xf32> to vector<1x1x16xf32>
          tpu.vector_store %arg11[%parallel_loop3A_300, %parallel_loop3A_301, %parallel_loop3A_302], %parallel_loop3A_305 {strides = array<i32>} : memref<2x128x64xf32, #tpu.memory_space<vmem>>, vector<1x1x16xf32>,
        } {sc.loop_unroll_factor = 8 : i64, sc.parallel_access}
        %mul3A_182 = arith.constant 50 : i32
        %mul3A_183 = arith.muli %add3A, %mul3A_182 : i32
        %mul3A_184 = arith.constant 2 : i32
        %mul3A_185 = arith.muli %mul3A_184, %add3A_147 : i32
        %add3A_186 = arith.addi %mul3A_183, %mul3A_185 : i32
        %dma_start3A_187 = arith.constant 0 : i32
        %dma_start3A_188 = arith.constant 0 : i32
        %dma_start3A_189 = tpu.memref_slice %arg7[%add3A_186, %dma_start3A_187, %dma_start3A_188] : memref<1600x128x64xf32, #tpu.memory_space<hbm>> -> memref<2x128x64xf32, #tpu.memory_space<hbm>>
        %dma_start3A_190 = arith.constant 0 : i32
        %dma_start3A_191 = arith.constant 0 : i32
        %dma_start3A_192 = tpu.memref_slice %arg7[%add3A_186, %dma_start3A_190, %dma_start3A_191] : memref<1600x128x64xf32, #tpu.memory_space<hbm>> -> memref<2x128x64xf32, #tpu.memory_space<hbm>>
        tpu.enqueue_dma source(%arg11 : memref<2x128x64xf32, #tpu.memory_space<vmem>>) target(%dma_start3A_192 : memref<2x128x64xf32, #tpu.memory_space<hbm>>) target_semaphore(%arg21 : memref<!tpu.dma_semaphore, #tpu.memory_space<semaphore_mem>>)
      } else {
      }
      %mul3A_153 = arith.constant 3 : i32
      %mul3A_154 = arith.muli %mul3A_153, %scan3A_137 : i32
      %add3A_155 = arith.constant 2 : i32
      %add3A_156 = arith.addi %mul3A_154, %add3A_155 : i32
      %lt3A_157 = arith.constant 25 : i32
      %lt3A_158 = arith.cmpi slt, %add3A_156, %lt3A_157 : i32
      %convert_element_type3A_159 = arith.extui %lt3A_158 : i1 to i32
      %cond3A_160 = arith.constant 0 : i32
      %cond3A_161 = arith.cmpi ne, %convert_element_type3A_159, %cond3A_160 : i32
      scf.if %cond3A_161 {
        %add3A_162 = arith.constant 3 : i32
        %add3A_163 = arith.addi %add3A_156, %add3A_162 : i32
        %sub3A = arith.constant 1 : i32
        %sub3A_164 = arith.subi %add3A_163, %sub3A : i32
        %lt3A_165 = arith.constant 25 : i32
        %lt3A_166 = arith.cmpi slt, %sub3A_164, %lt3A_165 : i32
        %convert_element_type3A_167 = arith.extui %lt3A_166 : i1 to i32
        %cond3A_168 = arith.constant 0 : i32
        %cond3A_169 = arith.cmpi ne, %convert_element_type3A_167, %cond3A_168 : i32
        scf.if %cond3A_169 {
          %ge3A = arith.constant 1 : i32
          %ge3A_193 = arith.cmpi sge, %add3A_156, %ge3A : i32
          %convert_element_type3A_194 = arith.extui %ge3A_193 : i1 to i32
          %cond3A_195 = arith.constant 0 : i32
          %cond3A_196 = arith.cmpi ne, %convert_element_type3A_194, %cond3A_195 : i32
          scf.if %cond3A_196 {
            %sub3A_229 = arith.constant 1 : i32
            %sub3A_230 = arith.subi %add3A_156, %sub3A_229 : i32
            %mul3A_231 = arith.constant 50 : i32
            %mul3A_232 = arith.muli %add3A, %mul3A_231 : i32
            %mul3A_233 = arith.constant 2 : i32
            %mul3A_234 = arith.muli %mul3A_233, %sub3A_230 : i32
            %add3A_235 = arith.addi %mul3A_232, %mul3A_234 : i32
            %dma_wait3A_236 = arith.constant 0 : i32
            %dma_wait3A_237 = arith.constant 0 : i32
            %dma_wait3A_238 = tpu.memref_slice %arg7[%add3A_235, %dma_wait3A_236, %dma_wait3A_237] : memref<1600x128x64xf32, #tpu.memory_space<hbm>> -> memref<2x128x64xf32, #tpu.memory_space<hbm>>
            %dma_wait3A_239 = arith.constant 0 : i32
            %dma_wait3A_240 = arith.constant 0 : i32
            %dma_wait3A_241 = tpu.memref_slice %arg7[%add3A_235, %dma_wait3A_239, %dma_wait3A_240] : memref<1600x128x64xf32, #tpu.memory_space<hbm>> -> memref<2x128x64xf32, #tpu.memory_space<hbm>>
            tpu.wait_dma2 semaphore(%arg21 : memref<!tpu.dma_semaphore, #tpu.memory_space<semaphore_mem>>) src(%arg11 : memref<2x128x64xf32, #tpu.memory_space<vmem>>) dst(%dma_wait3A_241 : memref<2x128x64xf32, #tpu.memory_space<hbm>>)
          } else {
          }
          %add3A_197 = arith.constant 3 : i32
          %add3A_198 = arith.addi %add3A_156, %add3A_197 : i32
          %sub3A_199 = arith.constant 1 : i32
          %sub3A_200 = arith.subi %add3A_198, %sub3A_199 : i32
          %mul3A_201 = arith.constant 2 : i32
          %mul3A_202 = arith.muli %mul3A_201, %sub3A_200 : i32
          %dma_start3A_203 = arith.constant 0 : i32
          %dma_start3A_204 = arith.constant 0 : i32
          %dma_start3A_205 = arith.constant 0 : i32
          %dma_start3A_206 = tpu.memref_slice %arg11[%dma_start3A_203, %dma_start3A_204, %dma_start3A_205] : memref<2x128x64xf32, #tpu.memory_space<vmem>> -> memref<1x128x64xf32, #tpu.memory_space<vmem>>
          %dma_start3A_207 = tpu.memref_squeeze %dma_start3A_206 : memref<1x128x64xf32, #tpu.memory_space<vmem>> -> memref<128x64xf32, #tpu.memory_space<vmem>>
          %dma_start3A_208 = arith.constant 0 : i32
          %dma_start3A_209 = tpu.memref_slice %arg8[%mul3A_202, %dma_start3A_208] : memref<50x128xi32, #tpu.memory_space<vmem>> -> memref<1x128xi32, #tpu.memory_space<vmem>>
          %dma_start3A_210 = tpu.memref_squeeze %dma_start3A_209 : memref<1x128xi32, #tpu.memory_space<vmem>> -> memref<128xi32, #tpu.memory_space<vmem>>
          %dma_start3A_211 = arith.constant 0 : i32
          %dma_start3A_212 = arith.constant 0 : i32
          %dma_start3A_213 = tpu.memref_slice %arg4[%dma_start3A_211, %dma_start3A_212] : memref<100000x64xf32, #tpu.memory_space<hbm>> -> memref<100000x64xf32, #tpu.memory_space<hbm>>
          tpu.enqueue_indirect_dma source(%dma_start3A_213 : memref<100000x64xf32, #tpu.memory_space<hbm>>) target(%dma_start3A_207 : memref<128x64xf32, #tpu.memory_space<vmem>>) offsets(%dma_start3A_210 : memref<128xi32, #tpu.memory_space<vmem>>) semaphore(%arg18 : memref<!tpu.dma_semaphore, #tpu.memory_space<semaphore_mem>>)
          %mul3A_214 = arith.constant 2 : i32
          %mul3A_215 = arith.muli %mul3A_214, %sub3A_200 : i32
          %add3A_216 = arith.constant 1 : i32
          %add3A_217 = arith.addi %mul3A_215, %add3A_216 : i32
          %dma_start3A_218 = arith.constant 1 : i32
          %dma_start3A_219 = arith.constant 0 : i32
          %dma_start3A_220 = arith.constant 0 : i32
          %dma_start3A_221 = tpu.memref_slice %arg11[%dma_start3A_218, %dma_start3A_219, %dma_start3A_220] : memref<2x128x64xf32, #tpu.memory_space<vmem>> -> memref<1x128x64xf32, #tpu.memory_space<vmem>>
          %dma_start3A_222 = tpu.memref_squeeze %dma_start3A_221 : memref<1x128x64xf32, #tpu.memory_space<vmem>> -> memref<128x64xf32, #tpu.memory_space<vmem>>
          %dma_start3A_223 = arith.constant 0 : i32
          %dma_start3A_224 = tpu.memref_slice %arg8[%add3A_217, %dma_start3A_223] : memref<50x128xi32, #tpu.memory_space<vmem>> -> memref<1x128xi32, #tpu.memory_space<vmem>>
          %dma_start3A_225 = tpu.memref_squeeze %dma_start3A_224 : memref<1x128xi32, #tpu.memory_space<vmem>> -> memref<128xi32, #tpu.memory_space<vmem>>
          %dma_start3A_226 = arith.constant 0 : i32
          %dma_start3A_227 = arith.constant 0 : i32
          %dma_start3A_228 = tpu.memref_slice %arg4[%dma_start3A_226, %dma_start3A_227] : memref<100000x64xf32, #tpu.memory_space<hbm>> -> memref<100000x64xf32, #tpu.memory_space<hbm>>
          tpu.enqueue_indirect_dma source(%dma_start3A_228 : memref<100000x64xf32, #tpu.memory_space<hbm>>) target(%dma_start3A_222 : memref<128x64xf32, #tpu.memory_space<vmem>>) offsets(%dma_start3A_225 : memref<128xi32, #tpu.memory_space<vmem>>) semaphore(%arg18 : memref<!tpu.dma_semaphore, #tpu.memory_space<semaphore_mem>>)
        } else {
        }
        %mul3A_170 = arith.constant 50 : i32
        %mul3A_171 = arith.muli %add3A, %mul3A_170 : i32
        %add3A_172 = arith.constant 0 : i32
        %add3A_173 = arith.addi %mul3A_171, %add3A_172 : i32
        %dma_wait3A_174 = arith.constant 0 : i32
        %dma_wait3A_175 = arith.constant 0 : i32
        %dma_wait3A_176 = tpu.memref_slice %arg7[%add3A_173, %dma_wait3A_174, %dma_wait3A_175] : memref<1600x128x64xf32, #tpu.memory_space<hbm>> -> memref<2x128x64xf32, #tpu.memory_space<hbm>>
        %dma_wait3A_177 = arith.constant 0 : i32
        %dma_wait3A_178 = arith.constant 0 : i32
        %dma_wait3A_179 = tpu.memref_slice %arg7[%add3A_173, %dma_wait3A_177, %dma_wait3A_178] : memref<1600x128x64xf32, #tpu.memory_space<hbm>> -> memref<2x128x64xf32, #tpu.memory_space<hbm>>
        tpu.wait_dma2 semaphore(%arg19 : memref<!tpu.dma_semaphore, #tpu.memory_space<semaphore_mem>>) src(%dma_wait3A_179 : memref<2x128x64xf32, #tpu.memory_space<hbm>>) dst(%arg12 : memref<2x128x64xf32, #tpu.memory_space<vmem>>)
        %parallel_loop3A = arith.constant 0 : i32
        %parallel_loop3A_180 = arith.constant 256 : i32
        %parallel_loop3A_181 = arith.constant 1 : i32
        scf.for %parallel_loop3A_193 = %parallel_loop3A to %parallel_loop3A_180 step %parallel_loop3A_181  : i32 {
          %parallel_loop3A_194 = arith.constant 256 : i32
          %parallel_loop3A_195 = arith.muli %add3A_156, %parallel_loop3A_194 : i32
          %parallel_loop3A_196 = arith.addi %parallel_loop3A_195, %parallel_loop3A_193 : i32
          %parallel_loop3A_197 = arith.index_cast %parallel_loop3A_196 : i32 to index
          %parallel_loop3A_198 = tpu.vector_load %arg15[%parallel_loop3A_197] {strides = array<i32>} : memref<6416xi32, #tpu.memory_space<vmem>>, vector<16xi32>,
          %parallel_loop3A_199 = vector.shape_cast %parallel_loop3A_198 : vector<16xi32> to vector<16xi32>
          %parallel_loop3A_200 = vector.extract_strided_slice %parallel_loop3A_199 {offsets = [0], sizes = [1], strides = [1]} : vector<16xi32> to vector<1xi32>
          %parallel_loop3A_201 = vector.extract %parallel_loop3A_200[0] : i32 from vector<1xi32>
          %parallel_loop3A_202 = arith.constant 128 : i32
          %parallel_loop3A_203 = arith.divsi %parallel_loop3A_193, %parallel_loop3A_202 : i32
          %parallel_loop3A_204 = arith.constant 0 : i32
          %parallel_loop3A_205 = arith.cmpi sgt, %parallel_loop3A_193, %parallel_loop3A_204 : i32
          %parallel_loop3A_206 = arith.extui %parallel_loop3A_205 : i1 to i32
          %parallel_loop3A_207 = arith.constant 0 : i32
          %parallel_loop3A_208 = arith.cmpi slt, %parallel_loop3A_193, %parallel_loop3A_207 : i32
          %parallel_loop3A_209 = arith.extui %parallel_loop3A_208 : i1 to i32
          %parallel_loop3A_210 = arith.subi %parallel_loop3A_206, %parallel_loop3A_209 : i32
          %parallel_loop3A_211 = arith.constant 0 : i32
          %parallel_loop3A_212 = arith.cmpi sgt, %parallel_loop3A_202, %parallel_loop3A_211 : i32
          %parallel_loop3A_213 = arith.extui %parallel_loop3A_212 : i1 to i32
          %parallel_loop3A_214 = arith.constant 0 : i32
          %parallel_loop3A_215 = arith.cmpi slt, %parallel_loop3A_202, %parallel_loop3A_214 : i32
          %parallel_loop3A_216 = arith.extui %parallel_loop3A_215 : i1 to i32
          %parallel_loop3A_217 = arith.subi %parallel_loop3A_213, %parallel_loop3A_216 : i32
          %parallel_loop3A_218 = arith.cmpi ne, %parallel_loop3A_210, %parallel_loop3A_217 : i32
          %parallel_loop3A_219 = arith.remsi %parallel_loop3A_193, %parallel_loop3A_202 : i32
          %parallel_loop3A_220 = arith.constant 0 : i32
          %parallel_loop3A_221 = arith.cmpi ne, %parallel_loop3A_219, %parallel_loop3A_220 : i32
          %parallel_loop3A_222 = arith.andi %parallel_loop3A_218, %parallel_loop3A_221 : i1
          %parallel_loop3A_223 = arith.constant 1 : i32
          %parallel_loop3A_224 = arith.subi %parallel_loop3A_203, %parallel_loop3A_223 : i32
          %parallel_loop3A_225 = arith.select %parallel_loop3A_222, %parallel_loop3A_224, %parallel_loop3A_203 : i32
          %parallel_loop3A_226 = arith.constant 128 : i32
          %parallel_loop3A_227 = arith.constant 0 : i32
          %parallel_loop3A_228 = arith.cmpi eq, %parallel_loop3A_226, %parallel_loop3A_227 : i32
          %parallel_loop3A_229 = arith.constant 1 : i32
          %parallel_loop3A_230 = arith.select %parallel_loop3A_228, %parallel_loop3A_229, %parallel_loop3A_226 : i32
          %parallel_loop3A_231 = arith.remsi %parallel_loop3A_193, %parallel_loop3A_230 : i32
          %parallel_loop3A_232 = arith.constant 0 : i32
          %parallel_loop3A_233 = arith.cmpi ne, %parallel_loop3A_231, %parallel_loop3A_232 : i32
          %parallel_loop3A_234 = arith.constant 0 : i32
          %parallel_loop3A_235 = arith.cmpi slt, %parallel_loop3A_231, %parallel_loop3A_234 : i32
          %parallel_loop3A_236 = arith.constant 0 : i32
          %parallel_loop3A_237 = arith.cmpi slt, %parallel_loop3A_230, %parallel_loop3A_236 : i32
          %parallel_loop3A_238 = arith.xori %parallel_loop3A_235, %parallel_loop3A_237 : i1
          %parallel_loop3A_239 = arith.andi %parallel_loop3A_238, %parallel_loop3A_233 : i1
          %parallel_loop3A_240 = arith.addi %parallel_loop3A_231, %parallel_loop3A_230 : i32
          %parallel_loop3A_241 = arith.select %parallel_loop3A_239, %parallel_loop3A_240, %parallel_loop3A_231 : i32
          %parallel_loop3A_242 = arith.index_cast %parallel_loop3A_225 : i32 to index
          %parallel_loop3A_243 = arith.index_cast %parallel_loop3A_241 : i32 to index
          %parallel_loop3A_244 = arith.constant 0 : index
          %parallel_loop3A_245 = tpu.vector_load %arg12[%parallel_loop3A_242, %parallel_loop3A_243, %parallel_loop3A_244] {strides = array<i32>} : memref<2x128x64xf32, #tpu.memory_space<vmem>>, vector<1x1x16xf32>,
          %parallel_loop3A_246 = vector.shape_cast %parallel_loop3A_245 : vector<1x1x16xf32> to vector<16xf32>
          %parallel_loop3A_247 = arith.index_cast %parallel_loop3A_201 : i32 to index
          %parallel_loop3A_248 = arith.constant 0 : index
          %parallel_loop3A_249 = tpu.vector_load %arg14[%parallel_loop3A_247, %parallel_loop3A_248] {strides = array<i32>} : memref<400x64xf32, #tpu.memory_space<vmem>>, vector<1x16xf32>,
          %parallel_loop3A_250 = vector.shape_cast %parallel_loop3A_249 : vector<1x16xf32> to vector<16xf32>
          %parallel_loop3A_251 = arith.addf %parallel_loop3A_246, %parallel_loop3A_250 : vector<16xf32>
          %parallel_loop3A_252 = arith.index_cast %parallel_loop3A_225 : i32 to index
          %parallel_loop3A_253 = arith.index_cast %parallel_loop3A_241 : i32 to index
          %parallel_loop3A_254 = arith.constant 0 : index
          %parallel_loop3A_255 = tpu.vector_load %arg12[%parallel_loop3A_252, %parallel_loop3A_253, %parallel_loop3A_254] {strides = array<i32>} : memref<2x128x64xf32, #tpu.memory_space<vmem>>, vector<1x1x16xf32>,
          %parallel_loop3A_256 = vector.shape_cast %parallel_loop3A_255 : vector<1x1x16xf32> to vector<16xf32>
          %parallel_loop3A_257 = vector.shape_cast %parallel_loop3A_251 : vector<16xf32> to vector<1x1x16xf32>
          tpu.vector_store %arg12[%parallel_loop3A_252, %parallel_loop3A_253, %parallel_loop3A_254], %parallel_loop3A_257 {strides = array<i32>} : memref<2x128x64xf32, #tpu.memory_space<vmem>>, vector<1x1x16xf32>,
          %parallel_loop3A_258 = arith.index_cast %parallel_loop3A_225 : i32 to index
          %parallel_loop3A_259 = arith.index_cast %parallel_loop3A_241 : i32 to index
          %parallel_loop3A_260 = arith.constant 16 : index
          %parallel_loop3A_261 = tpu.vector_load %arg12[%parallel_loop3A_258, %parallel_loop3A_259, %parallel_loop3A_260] {strides = array<i32>} : memref<2x128x64xf32, #tpu.memory_space<vmem>>, vector<1x1x16xf32>,
          %parallel_loop3A_262 = vector.shape_cast %parallel_loop3A_261 : vector<1x1x16xf32> to vector<16xf32>
          %parallel_loop3A_263 = arith.index_cast %parallel_loop3A_201 : i32 to index
          %parallel_loop3A_264 = arith.constant 16 : index
          %parallel_loop3A_265 = tpu.vector_load %arg14[%parallel_loop3A_263, %parallel_loop3A_264] {strides = array<i32>} : memref<400x64xf32, #tpu.memory_space<vmem>>, vector<1x16xf32>,
          %parallel_loop3A_266 = vector.shape_cast %parallel_loop3A_265 : vector<1x16xf32> to vector<16xf32>
          %parallel_loop3A_267 = arith.addf %parallel_loop3A_262, %parallel_loop3A_266 : vector<16xf32>
          %parallel_loop3A_268 = arith.index_cast %parallel_loop3A_225 : i32 to index
          %parallel_loop3A_269 = arith.index_cast %parallel_loop3A_241 : i32 to index
          %parallel_loop3A_270 = arith.constant 16 : index
          %parallel_loop3A_271 = tpu.vector_load %arg12[%parallel_loop3A_268, %parallel_loop3A_269, %parallel_loop3A_270] {strides = array<i32>} : memref<2x128x64xf32, #tpu.memory_space<vmem>>, vector<1x1x16xf32>,
          %parallel_loop3A_272 = vector.shape_cast %parallel_loop3A_271 : vector<1x1x16xf32> to vector<16xf32>
          %parallel_loop3A_273 = vector.shape_cast %parallel_loop3A_267 : vector<16xf32> to vector<1x1x16xf32>
          tpu.vector_store %arg12[%parallel_loop3A_268, %parallel_loop3A_269, %parallel_loop3A_270], %parallel_loop3A_273 {strides = array<i32>} : memref<2x128x64xf32, #tpu.memory_space<vmem>>, vector<1x1x16xf32>,
          %parallel_loop3A_274 = arith.index_cast %parallel_loop3A_225 : i32 to index
          %parallel_loop3A_275 = arith.index_cast %parallel_loop3A_241 : i32 to index
          %parallel_loop3A_276 = arith.constant 32 : index
          %parallel_loop3A_277 = tpu.vector_load %arg12[%parallel_loop3A_274, %parallel_loop3A_275, %parallel_loop3A_276] {strides = array<i32>} : memref<2x128x64xf32, #tpu.memory_space<vmem>>, vector<1x1x16xf32>,
          %parallel_loop3A_278 = vector.shape_cast %parallel_loop3A_277 : vector<1x1x16xf32> to vector<16xf32>
          %parallel_loop3A_279 = arith.index_cast %parallel_loop3A_201 : i32 to index
          %parallel_loop3A_280 = arith.constant 32 : index
          %parallel_loop3A_281 = tpu.vector_load %arg14[%parallel_loop3A_279, %parallel_loop3A_280] {strides = array<i32>} : memref<400x64xf32, #tpu.memory_space<vmem>>, vector<1x16xf32>,
          %parallel_loop3A_282 = vector.shape_cast %parallel_loop3A_281 : vector<1x16xf32> to vector<16xf32>
          %parallel_loop3A_283 = arith.addf %parallel_loop3A_278, %parallel_loop3A_282 : vector<16xf32>
          %parallel_loop3A_284 = arith.index_cast %parallel_loop3A_225 : i32 to index
          %parallel_loop3A_285 = arith.index_cast %parallel_loop3A_241 : i32 to index
          %parallel_loop3A_286 = arith.constant 32 : index
          %parallel_loop3A_287 = tpu.vector_load %arg12[%parallel_loop3A_284, %parallel_loop3A_285, %parallel_loop3A_286] {strides = array<i32>} : memref<2x128x64xf32, #tpu.memory_space<vmem>>, vector<1x1x16xf32>,
          %parallel_loop3A_288 = vector.shape_cast %parallel_loop3A_287 : vector<1x1x16xf32> to vector<16xf32>
          %parallel_loop3A_289 = vector.shape_cast %parallel_loop3A_283 : vector<16xf32> to vector<1x1x16xf32>
          tpu.vector_store %arg12[%parallel_loop3A_284, %parallel_loop3A_285, %parallel_loop3A_286], %parallel_loop3A_289 {strides = array<i32>} : memref<2x128x64xf32, #tpu.memory_space<vmem>>, vector<1x1x16xf32>,
          %parallel_loop3A_290 = arith.index_cast %parallel_loop3A_225 : i32 to index
          %parallel_loop3A_291 = arith.index_cast %parallel_loop3A_241 : i32 to index
          %parallel_loop3A_292 = arith.constant 48 : index
          %parallel_loop3A_293 = tpu.vector_load %arg12[%parallel_loop3A_290, %parallel_loop3A_291, %parallel_loop3A_292] {strides = array<i32>} : memref<2x128x64xf32, #tpu.memory_space<vmem>>, vector<1x1x16xf32>,
          %parallel_loop3A_294 = vector.shape_cast %parallel_loop3A_293 : vector<1x1x16xf32> to vector<16xf32>
          %parallel_loop3A_295 = arith.index_cast %parallel_loop3A_201 : i32 to index
          %parallel_loop3A_296 = arith.constant 48 : index
          %parallel_loop3A_297 = tpu.vector_load %arg14[%parallel_loop3A_295, %parallel_loop3A_296] {strides = array<i32>} : memref<400x64xf32, #tpu.memory_space<vmem>>, vector<1x16xf32>,
          %parallel_loop3A_298 = vector.shape_cast %parallel_loop3A_297 : vector<1x16xf32> to vector<16xf32>
          %parallel_loop3A_299 = arith.addf %parallel_loop3A_294, %parallel_loop3A_298 : vector<16xf32>
          %parallel_loop3A_300 = arith.index_cast %parallel_loop3A_225 : i32 to index
          %parallel_loop3A_301 = arith.index_cast %parallel_loop3A_241 : i32 to index
          %parallel_loop3A_302 = arith.constant 48 : index
          %parallel_loop3A_303 = tpu.vector_load %arg12[%parallel_loop3A_300, %parallel_loop3A_301, %parallel_loop3A_302] {strides = array<i32>} : memref<2x128x64xf32, #tpu.memory_space<vmem>>, vector<1x1x16xf32>,
          %parallel_loop3A_304 = vector.shape_cast %parallel_loop3A_303 : vector<1x1x16xf32> to vector<16xf32>
          %parallel_loop3A_305 = vector.shape_cast %parallel_loop3A_299 : vector<16xf32> to vector<1x1x16xf32>
          tpu.vector_store %arg12[%parallel_loop3A_300, %parallel_loop3A_301, %parallel_loop3A_302], %parallel_loop3A_305 {strides = array<i32>} : memref<2x128x64xf32, #tpu.memory_space<vmem>>, vector<1x1x16xf32>,
        } {sc.loop_unroll_factor = 8 : i64, sc.parallel_access}
        %mul3A_182 = arith.constant 50 : i32
        %mul3A_183 = arith.muli %add3A, %mul3A_182 : i32
        %mul3A_184 = arith.constant 2 : i32
        %mul3A_185 = arith.muli %mul3A_184, %add3A_156 : i32
        %add3A_186 = arith.addi %mul3A_183, %mul3A_185 : i32
        %dma_start3A_187 = arith.constant 0 : i32
        %dma_start3A_188 = arith.constant 0 : i32
        %dma_start3A_189 = tpu.memref_slice %arg7[%add3A_186, %dma_start3A_187, %dma_start3A_188] : memref<1600x128x64xf32, #tpu.memory_space<hbm>> -> memref<2x128x64xf32, #tpu.memory_space<hbm>>
        %dma_start3A_190 = arith.constant 0 : i32
        %dma_start3A_191 = arith.constant 0 : i32
        %dma_start3A_192 = tpu.memref_slice %arg7[%add3A_186, %dma_start3A_190, %dma_start3A_191] : memref<1600x128x64xf32, #tpu.memory_space<hbm>> -> memref<2x128x64xf32, #tpu.memory_space<hbm>>
        tpu.enqueue_dma source(%arg12 : memref<2x128x64xf32, #tpu.memory_space<vmem>>) target(%dma_start3A_192 : memref<2x128x64xf32, #tpu.memory_space<hbm>>) target_semaphore(%arg22 : memref<!tpu.dma_semaphore, #tpu.memory_space<semaphore_mem>>)
      } else {
      }
    }
    %scan3A_107 = arith.constant 9 : i32
    %mul3A_108 = arith.constant 50 : i32
    %mul3A_109 = arith.muli %add3A, %mul3A_108 : i32
    %add3A_110 = arith.constant 44 : i32
    %add3A_111 = arith.addi %mul3A_109, %add3A_110 : i32
    %dma_wait3A = arith.constant 0 : i32
    %dma_wait3A_112 = arith.constant 0 : i32
    %dma_wait3A_113 = tpu.memref_slice %arg7[%add3A_111, %dma_wait3A, %dma_wait3A_112] : memref<1600x128x64xf32, #tpu.memory_space<hbm>> -> memref<2x128x64xf32, #tpu.memory_space<hbm>>
    %dma_wait3A_114 = arith.constant 0 : i32
    %dma_wait3A_115 = arith.constant 0 : i32
    %dma_wait3A_116 = tpu.memref_slice %arg7[%add3A_111, %dma_wait3A_114, %dma_wait3A_115] : memref<1600x128x64xf32, #tpu.memory_space<hbm>> -> memref<2x128x64xf32, #tpu.memory_space<hbm>>
    tpu.wait_dma2 semaphore(%arg21 : memref<!tpu.dma_semaphore, #tpu.memory_space<semaphore_mem>>) src(%arg11 : memref<2x128x64xf32, #tpu.memory_space<vmem>>) dst(%dma_wait3A_116 : memref<2x128x64xf32, #tpu.memory_space<hbm>>)
    %mul3A_117 = arith.constant 50 : i32
    %mul3A_118 = arith.muli %add3A, %mul3A_117 : i32
    %add3A_119 = arith.constant 46 : i32
    %add3A_120 = arith.addi %mul3A_118, %add3A_119 : i32
    %dma_wait3A_121 = arith.constant 0 : i32
    %dma_wait3A_122 = arith.constant 0 : i32
    %dma_wait3A_123 = tpu.memref_slice %arg7[%add3A_120, %dma_wait3A_121, %dma_wait3A_122] : memref<1600x128x64xf32, #tpu.memory_space<hbm>> -> memref<2x128x64xf32, #tpu.memory_space<hbm>>
    %dma_wait3A_124 = arith.constant 0 : i32
    %dma_wait3A_125 = arith.constant 0 : i32
    %dma_wait3A_126 = tpu.memref_slice %arg7[%add3A_120, %dma_wait3A_124, %dma_wait3A_125] : memref<1600x128x64xf32, #tpu.memory_space<hbm>> -> memref<2x128x64xf32, #tpu.memory_space<hbm>>
    tpu.wait_dma2 semaphore(%arg22 : memref<!tpu.dma_semaphore, #tpu.memory_space<semaphore_mem>>) src(%arg12 : memref<2x128x64xf32, #tpu.memory_space<vmem>>) dst(%dma_wait3A_126 : memref<2x128x64xf32, #tpu.memory_space<hbm>>)
    %mul3A_127 = arith.constant 50 : i32
    %mul3A_128 = arith.muli %add3A, %mul3A_127 : i32
    %add3A_129 = arith.constant 48 : i32
    %add3A_130 = arith.addi %mul3A_128, %add3A_129 : i32
    %dma_wait3A_131 = arith.constant 0 : i32
    %dma_wait3A_132 = arith.constant 0 : i32
    %dma_wait3A_133 = tpu.memref_slice %arg7[%add3A_130, %dma_wait3A_131, %dma_wait3A_132] : memref<1600x128x64xf32, #tpu.memory_space<hbm>> -> memref<2x128x64xf32, #tpu.memory_space<hbm>>
    %dma_wait3A_134 = arith.constant 0 : i32
    %dma_wait3A_135 = arith.constant 0 : i32
    %dma_wait3A_136 = tpu.memref_slice %arg7[%add3A_130, %dma_wait3A_134, %dma_wait3A_135] : memref<1600x128x64xf32, #tpu.memory_space<hbm>> -> memref<2x128x64xf32, #tpu.memory_space<hbm>>
    tpu.wait_dma2 semaphore(%arg20 : memref<!tpu.dma_semaphore, #tpu.memory_space<semaphore_mem>>) src(%arg10 : memref<2x128x64xf32, #tpu.memory_space<vmem>>) dst(%dma_wait3A_136 : memref<2x128x64xf32, #tpu.memory_space<hbm>>)
    return
  }
}

</mosaic_0001>

<sc_bundles>
// kernel: kernel.3.cloned.1.call-start
scs
__scs_entry_jumppad:
0x0: {  	(pc) =	sbr.rel $0x88, $3  }
0x1: {  	(tag) =	ssettag $0x0;
	lr =	simm.s32 $0x1  }
0x2: {  	[smem:$0x3F9C] =	sst lr;
	_ =	strace $0xD0000000  }
0x3: {  	_ = 	snop  }
0x4: {  	_ = 	snop  }
0x5: {  	_ = 	snop  }
0x6: {  	_ = 	snop  }
0x7: {  	_ = 	snop  }
__scs_overlays_trampoline_lowered:
0x8: {  	[smem:$0x3FAB] =	sst s0  }
0x9: {  	[smem:$0x3FAC] =	sst s1  }
0xa: {  	[smem:$0x3FAD] =	sst s2  }
0xb: {  	[smem:$0x3FAE] =	sst s3  }
0xc: {  	[smem:$0x3FAF] =	sst s4  }
0xd: {  	[smem:$0x3FB0] =	sst s5  }
0xe: {  	[smem:$0x3FB1] =	sst s6  }
0xf: {  	[smem:$0x3FB2] =	sst s7  }
0x10: {  	[smem:$0x3FB3] =	sst s8  }
0x11: {  	[smem:$0x3FB4] =	sst s9;
	s0 =	simm.s32 @!p0 $0x0  }
0x12: {  	s1 =	sld [smem:$0x3F9A];
	s0 =	simm.s32 @p0 $0x1  }
0x13: {  	[smem:$0x3FB5] =	sst s0;
	s0 =	simm.s32 @!p1 $0x0  }
0x14: {  	s2 =	sld [smem:$0x3F99];
	s0 =	simm.s32 @p1 $0x1  }
0x15: {  	[smem:$0x3FB6] =	sst s0;
	s0 =	simm.s32 @!p2 $0x0  }
0x16: {  	s3 =	sld [smem:$0x3FDB];
	s0 =	simm.s32 @p2 $0x1  }
0x17: {  	s4 =	simm.s32 $0x1BF5;
	[smem:$0x3FB8] =	sst s0  }
0x18: {  	s0 =	sld [smem:$0x3F9B];
	_ =	swait.ge [sflag:s4], $0x0  }
0x19: {  	s7 =	sld [smem:$0x3F9C]  }
0x1a: {  	s8 =	sadd.s32 $0xFFFFE003, lr  }
0x1b: {  	s9 =	sadd.s32 $0xFFFFFEF7, lr;
	s5 =	simm.s32 $0xFFFFFFFF;
	p2 =	slt.u32 s8, $0xFFFFF086  }
0x1c: {  	p1 =	slt.u32 s9, $0xF7A;
	s5 =	simm.s32 @!p2 $0x0  }
0x1d: {  	s5 =	simm.s32 @p1 $0x1;
	p0 =	seq.s32 s7, s2  }
0x1e: {  	s7 =	smul.u32 @!p0 $0xF7A, s2;
	p2 =	seq.s32 @!p0 s5, $0x0  }
0x1f: {  	s9 =	smul.u32 $0xF7A, s1;
	s8 =	simm.s32 @!p0 $0x1BF5;
	p2 =	por !p2, p0  }
0x20: {  	[sflag:s8] =	ssyncset.s32 @!p0 $0xFFFFF086;
	s6 =	sadd.s32 @!p0 s3, s7;
	s7 =	simm.s32 @!p0 $0x108  }
0x21: {  	s3 =	sadd.s32 s3, s9;
	s6 =	sadd.s32 @!p0 $0x88, s6;
	s7 =	simm.s32 @p2 $0x1082  }
0x22: {  	[simem:s7], [sflag:s8] =	dma.local @!p0 [hbm:s6], $0xF7A  }
0x23: {  	s9 =	sor.u32 $0xD0000000, s2;
	s6 =	simm.s32 $0x108;
	_ =	swait.ge @!p0 [sflag:s8], $0x0  }
0x24: {  	s3 =	sadd.s32 $0x88, s3;
	s6 =	simm.s32 @!p1 $0x1082;
	[sflag:s4] =	ssyncset.s32 $0xFFFFF086  }
0x25: {  	[simem:s6], [sflag:s4] =	dma.local [hbm:s3], $0xF7A  }
0x26: {  	[smem:$0x3F9C] =	sst s1;
	(tag) =	ssettag s2;
	_ =	strace s9  }
0x27: {  	s1 =	sld [smem:$0x3FAC]  }
0x28: {  	s2 =	sld [smem:$0x3FAD]  }
0x29: {  	s4 =	sld [smem:$0x3FAF]  }
0x2a: {  	p0 =	seq.s32 s5, $0x0;
	s5 =	sld [smem:$0x3FB0]  }
0x2b: {  	s6 =	sld [smem:$0x3FB1]  }
0x2c: {  	s7 =	sld [smem:$0x3FB2]  }
0x2d: {  	s3 =	simm.s32 $0x108;
	s8 =	sld [smem:$0x3FB3]  }
0x2e: {  	s3 =	simm.s32 @!p0 $0x1082;
	s9 =	sld [smem:$0x3FB4]  }
0x2f: {  	lr =	sadd.s32 s0, s3;
	s0 =	sld [smem:$0x3FAB]  }
0x30: {  	s3 =	sld [smem:$0x3FAE]  }
0x31: {  	[smem:$0x3FB7] =	sst s10  }
0x32: {  	s10 =	sld [smem:$0x3FB5];
	_ =	sdelay $0x3  }
0x33: {  	p0 =	seq.s32 s10, $0x1;
	s10 =	sld [smem:$0x3FB7];
	_ =	sdelay $0x3  }
0x34: {  	[smem:$0x3FB7] =	sst s10  }
0x35: {  	s10 =	sld [smem:$0x3FB6];
	_ =	sdelay $0x3  }
0x36: {  	p1 =	seq.s32 s10, $0x1;
	s10 =	sld [smem:$0x3FB7];
	_ =	sdelay $0x3  }
0x37: {  	[smem:$0x3FB7] =	sst s10  }
0x38: {  	s10 =	sld [smem:$0x3FB8]  }
0x39: {  	_ = 	snop;
	(pc) =	sbr.ind lr, $3  }
0x3a: {  	_ = 	snop  }
0x3b: {  	_ = 	snop  }
0x3c: {  	p2 =	seq.s32 s10, $0x1;
	s10 =	sld [smem:$0x3FB7]  }
0x3d: {  	_ =	shalt  }
0x3e: {  	_ =	shalt  }
0x3f: {  	_ =	shalt  }
0x40: {  	_ =	shalt  }
0x41: {  	_ =	shalt  }
0x42: {  	_ =	shalt  }
0x43: {  	_ =	shalt  }
0x44: {  	_ =	shalt  }
0x45: {  	_ =	shalt  }
0x46: {  	_ =	shalt  }
0x47: {  	_ =	shalt  }
0x48: {  	_ =	shalt  }
0x49: {  	_ =	shalt  }
0x4a: {  	_ =	shalt  }
0x4b: {  	_ =	shalt  }
0x4c: {  	_ =	shalt  }
0x4d: {  	_ =	shalt  }
0x4e: {  	_ =	shalt  }
0x4f: {  	_ =	shalt  }
0x50: {  	_ =	shalt  }
0x51: {  	_ =	shalt  }
0x52: {  	_ =	shalt  }
0x53: {  	_ =	shalt  }
0x54: {  	_ =	shalt  }
0x55: {  	_ =	shalt  }
0x56: {  	_ =	shalt  }
0x57: {  	_ =	shalt  }
0x58: {  	_ =	shalt  }
0x59: {  	_ =	shalt  }
0x5a: {  	_ =	shalt  }
0x5b: {  	_ =	shalt  }
0x5c: {  	_ =	shalt  }
0x5d: {  	_ =	shalt  }
0x5e: {  	_ =	shalt  }
0x5f: {  	_ =	shalt  }
0x60: {  	_ =	shalt  }
0x61: {  	_ =	shalt  }
0x62: {  	_ =	shalt  }
0x63: {  	_ =	shalt  }
0x64: {  	_ =	shalt  }
0x65: {  	_ =	shalt  }
0x66: {  	_ =	shalt  }
0x67: {  	_ =	shalt  }
0x68: {  	_ =	shalt  }
0x69: {  	_ =	shalt  }
0x6a: {  	_ =	shalt  }
0x6b: {  	_ =	shalt  }
0x6c: {  	_ =	shalt  }
0x6d: {  	_ =	shalt  }
0x6e: {  	_ =	shalt  }
0x6f: {  	_ =	shalt  }
0x70: {  	_ =	shalt  }
0x71: {  	_ =	shalt  }
0x72: {  	_ =	shalt  }
0x73: {  	_ =	shalt  }
0x74: {  	_ =	shalt  }
0x75: {  	_ =	shalt  }
0x76: {  	_ =	shalt  }
0x77: {  	_ =	shalt  }
0x78: {  	_ =	shalt  }
0x79: {  	_ =	shalt  }
0x7a: {  	_ =	shalt  }
0x7b: {  	_ =	shalt  }
0x7c: {  	_ =	shalt  }
0x7d: {  	_ =	shalt  }
0x7e: {  	_ =	shalt  }
0x7f: {  	_ =	shalt  }
0x80: {  	_ =	shalt  }
0x81: {  	_ =	shalt  }
0x82: {  	_ =	shalt  }
0x83: {  	_ =	shalt  }
0x84: {  	_ =	shalt  }
0x85: {  	_ =	shalt  }
0x86: {  	_ =	shalt  }
0x87: {  	_ =	shalt  }
.Lfunc_end0:
.L_simem_size_0:
called_computation.1_lowered:
.L_overlay_start_0:
0x88: {  	s2 =	sld [smem:$0x3FD9]  }
0x89: {  	s3 =	sld [smem:$0x3FFE];
	_ =	sdelay $0x1  }
0x8a: {  	s1 =	srdreg.scid  }
0x8b: {  	s0 =	sand.u32 $0x1, s1  }
0x8c: {  	s17 =	sshll.u32 s0, $0xA;
	s2 =	sadd.s32 s3, s2  }
0x8d: {  	s2 =	sadd.s32 s2, s17  }
0x8e: {  	[smem:$0x3FC3] =	sst s2  }
0x8f: {  	_ = 	snop  }
0x90: {  	s2 =	sld [smem:$0x3FD0];
	(tm) =	ssettm $0x1  }
0x91: {  	s18 =	sld [smem:$0x3FFB];
	_ =	sdelay $0x3  }
0x92: {  	_ =	strace s18  }
0x93: {  	s3 =	sld [smem:$0x3FFC];
	_ =	sdelay $0x3  }
0x94: {  	_ =	strace s3  }
0x95: {  	s3 =	sld [smem:$0x3FFD];
	_ =	sdelay $0x3  }
0x96: {  	_ =	strace s3  }
0x97: {  	_ =	strace $0x8FFFFFFF  }
0x98: {  	s19 =	sld [smem:$0x3FDB];
	_ =	sdelay $0x1  }
0x99: {  	s4 =	simm.s32 $_scs_section_size  }
0x9a: {  	s5 =	simm.s32 $_size__tile_overlayer_lowered;
	s6 =	simm.s32 $_tile_overlayer_lowered  }
0x9b: {  	s22 =	simm.s32 $0x1BFF;
	s21 =	sshll.u32 s6, $0x1;
	s3 =	sadd.s32 s4, s19  }
0x9c: {  	s7 =	simm.s32 $0x0;
	s20 =	sshll.u32 s5, $0x1;
	s5 =	sadd.s32 s21, s3  }
0x9d: {  	[timem:s7], [sflag:s22] =	dma.local [hbm:s5], s20  }
0x9e: {  	_ =	swait.ge [sflag:s22], s20  }
0x9f: {  	s4 =	ssub.s32 $0x0, s20;
	[sflag:s22] =	ssyncset.done $0x0  }
0xa0: {  	[sflag:s22] =	ssyncadd.s32 s4;
	_ =	sdelay $0x1  }
0xa1: {  	s23 =	simm.s32 $0x1B8B  }
0xa2: {  	_ =	swait.ge [sflag:s23], $0x1  }
0xa3: {  	[sflag:s23] =	ssyncset.done $0x0  }
0xa4: {  	s25 =	simm.s32 $0x1B8E;
	s24 =	sld [smem:$0x3FFE];
	[sflag:s23] =	ssyncadd.s32 $0xFFFFFFFF  }
0xa5: {  	s26 =	simm.s32 $execute0_lowered;
	[smem:$0x3FD2] =	sst s25  }
0xa6: {  	s5 =	sshll.u32 s26, $0x1;
	_ =	strace $0x80000046;
	[dreg:$0x1] =	wrdreg $0xFFFFFFFF  }
0xa7: {  	s28 =	simm.s32 $_size_execute0_lowered;
	s3 =	sadd.s32 s3, s5;
	[dreg:$0x0] =	wrdreg $0x0  }
0xa8: {  	s5 =	sshll.u32 s28, $0x1;
	[dreg:$0x2] =	wrdreg s3  }
0xa9: {  	[dreg:$0x3] =	wrdreg s5  }
0xaa: {  	[dreg:$0x4] =	wrdreg $0xC0  }
0xab: {  	_ =	task [dreg:s7], $0x5FFFF  }
0xac: {  	[dreg:$0x1] =	wrdreg $0xFFFFFFFF  }
0xad: {  	[dreg:$0x0] =	wrdreg $0x60  }
0xae: {  	[dreg:$0x2] =	wrdreg s24  }
0xaf: {  	[dreg:$0x3] =	wrdreg s2  }
0xb0: {  	[dreg:$0x4] =	wrdreg $0x9  }
0xb1: {  	_ =	task.clear_ibuf [dreg:s7], $0x5FFFF;
	_ =	strace $0x90000046  }
0xb2: {  	s29 =	simm.s32 $0x9;
	_ =	strace $0x80000048  }
0xb3: {  	_ =	swait.ge [sflag:s29], $0x1  }
0xb4: {  	[sflag:s29] =	ssyncadd.s32 $0xFFFFFFFF  }
0xb5: {  	_ =	strace $0x90000048  }
0xb6: {  	_ =	sfence  }
0xb7: {  	s30 =	sld [smem:$0x0];
	_ =	sdelay $0x2  }
0xb8: {  	s31 =	sshll.u32 s1, $0xD;
	s1 =	sshrl.u32 s1, $0x2  }
0xb9: {  	s3 =	sand.u32 $0x4000, s31;
	s1 =	sadd.s32 s1, s30  }
0xba: {  	s0 =	sor.u32 s3, s0;
	s1 =	sshll.u32 s1, $0x11  }
0xbb: {  	s0 =	sor.u32 s1, s0  }
0xbc: {  	s0 =	sadd.s32 $0x8F2B, s0  }
0xbd: {  	[sflag:s0] =	ssyncadd.remote.s32 $0x1  }
0xbe: {  	_ =	sfence.sel $0xFFFF  }
0xbf: {  	[dreg:$0x0] =	wrdreg $0xFFFFFFFF;
	(pc) =	sbr.abs _section_cstart, $3  }
0xc0: {  	[dreg:$0x1] =	wrdreg $0xFFFFFFFF  }
0xc1: {  	_ =	task.clear_ibuf [dreg:s7], $0x2FFFF;
	_ =	strace $0x9FFFFFFF  }
0xc2: {  	(tm) =	ssettm $0x7FFFFFFF  }
0xc3: {  	_ =	shalt  }
tec
execute0_lowered:
.L_overlay_start_1:
0x0: {  	(tag) =	ssettag $0x1  }
0x1: {  	s0 =	srdreg.scid  }
0x2: {  	s2 =	stileid.u32;
	s1 =	rddreg [dreg:$0x0]  }
0x3: {  	s3 =	simm.s32 $0x0;
	s0 =	sand.u32 $0x1, s0;
	s2 =	sshll.u32 s2, $0x1  }
0x4: {  	[smem:$0x7FF] =	sst s3;
	s25 =	sadd.s32 $0xDA00, s1;
	s2 =	sor.u32 s0, s2  }
0x5: {  	s26 =	sadd.s32 $0xA00, s1;
	_ =	strace $0x80000047;
	s4 =	smul.u32 $0x320, s2  }
0x6: {  	s0 =	ssub.s32 $0x2, s0;
	[dreg:$0x3] =	wrdreg s25;
	s28 =	smul.u32 $0x32, s2  }
0x7: {  	[dreg:$0x4] =	wrdreg s26;
	s6 =	sshrl.u32 s0, $0x1;
	s31 =	smul.u32 $0x64000, s2  }
0x8: {  	s0 =	ssub.s32 s0, s6;
	s5 =	sadd.s32 s4, s1;
	[dreg:$0x6] =	wrdreg s28  }
.Ltmp0:
0x9: {  	s1 =	sadd.s32 $0x800, s1;
	[dreg:$0x9] =	wrdreg s31;
	(pc) =	sbr.rel .LBB2_1-.Ltmp0, $4  }
0xa: {  	s0 =	smax.u32 s0, $0x1;
	[dreg:$0x5] =	wrdreg s1  }
0xb: {  	s29 =	sadd.s32 $0x1200, s5;
	[dreg:$0xa] =	wrdreg s0  }
0xc: {  	s30 =	sadd.s32 $0x7600, s5;
	[dreg:$0x7] =	wrdreg s29  }
0xd: {  	v0 =	vlaneseq.u32;
	s2 =	simm.s32 $0x0;
	[dreg:$0x8] =	wrdreg s30  }
.LBB2_18:
0xe: {  	s0 =	simm.s32 $0x5  }
0xf: {  	_ =	swait.ge [sflag:s0], $0x4000  }
0x10: {  	[sflag:s0] =	ssyncset.done $0x0  }
0x11: {  	s30 =	simm.s32 $0x6;
	[sflag:s0] =	ssyncadd.s32 $0xFFFFC000  }
0x12: {  	_ =	swait.ge [sflag:s30], $0x4000  }
0x13: {  	[sflag:s30] =	ssyncset.done $0x0  }
0x14: {  	s1 =	simm.s32 $0x4;
	[sflag:s30] =	ssyncadd.s32 $0xFFFFC000  }
0x15: {  	_ =	swait.ge [sflag:s1], $0x4000  }
0x16: {  	s2 =	rddreg [dreg:$0xb]  }
0x17: {  	s31 =	rddreg [dreg:$0xa];
	s2 =	sadd.s32 $0x1, s2  }
0x18: {  	p0 =	sne.s32 s2, s31  }
.Ltmp1:
0x19: {  	_ = 	snop;
	(pc) =	sbr.rel @!p0 .LBB2_19-.Ltmp1, $3  }
0x1a: {  	_ =	sdelay $0x1  }
0x1b: {  	[sflag:s1] =	ssyncset.done $0x0  }
0x1c: {  	[sflag:s1] =	ssyncadd.s32 $0xFFFFC000  }
.LBB2_1:
0x1d: {  	[dreg:$0xb] =	wrdreg s2  }
0x1e: {  	s0 =	simm.s32 $0x0;
	s1 =	rddreg [dreg:$0x7];
	s18 =	simm.s32 $0x7  }
0x1f: {  	[tilespmem:s0], [sflag:$0x7] =	stream.linear.gather [hbm4b:s1+s0], $0x1900, $0x38;
	[tilespmem:$0x1A190] =	vst v63  }
0x20: {  	_ =	swait.ge [sflag:s18], $0x1900  }
0x21: {  	s3 =	simm.s32 $0x80;
	[sflag:s18] =	ssyncset.done $0x0  }
0x22: {  	s4 =	simm.s32 $0x3200;
	s19 =	rddreg [dreg:$0x3];
	[sflag:s18] =	ssyncadd.s32 $0xFFFFE700  }
0x23: {  	[tilespmem:s4], [sflag:$0x1] =	stream.indirect.gather [hbm4b:s19+s3], $0x40, s0, s3, $0xb8;
	[tilespmem:$0x1A190] =	vst v63  }
0x24: {  	s20 =	simm.s32 $0x5200  }
0x25: {  	[tilespmem:s20], [sflag:$0x1] =	stream.indirect.gather [hbm4b:s19+s3], $0x40, s3, s3, $0xb8;
	[tilespmem:$0x1A190] =	vst v63  }
0x26: {  	s21 =	simm.s32 $0x100;
	s5 =	simm.s32 $0x7200  }
0x27: {  	[tilespmem:s5], [sflag:$0x2] =	stream.indirect.gather [hbm4b:s19+s3], $0x40, s21, s3, $0xb8;
	[tilespmem:$0x1A190] =	vst v63  }
0x28: {  	s22 =	simm.s32 $0x180;
	s23 =	simm.s32 $0x9200  }
0x29: {  	[tilespmem:s23], [sflag:$0x2] =	stream.indirect.gather [hbm4b:s19+s3], $0x40, s22, s3, $0xb8;
	[tilespmem:$0x1A190] =	vst v63  }
0x2a: {  	s25 =	simm.s32 $0xF200;
	s24 =	rddreg [dreg:$0x4]  }
0x2b: {  	[tilespmem:s25], [sflag:$0x7] =	stream.linear.gather [hbm4b:s24+s0], $0x3200, $0x38;
	[tilespmem:$0x1A190] =	vst v63  }
0x2c: {  	_ =	swait.ge [sflag:s18], $0x3200  }
0x2d: {  	[sflag:s18] =	ssyncset.done $0x0  }
0x2e: {  	s28 =	simm.s32 $0x1A110;
	s26 =	rddreg [dreg:$0x5];
	[sflag:s18] =	ssyncadd.s32 $0xFFFFCE00  }
0x2f: {  	[tilespmem:s28], [sflag:$0x7] =	stream.linear.gather [hbm4b:s26+s0], $0x80, $0x38;
	[tilespmem:$0x1A190] =	vst v63  }
0x30: {  	_ =	swait.ge [sflag:s18], $0x80  }
0x31: {  	[sflag:s18] =	ssyncset.done $0x0  }
0x32: {  	s30 =	simm.s32 $0x1900;
	s29 =	rddreg [dreg:$0x8];
	[sflag:s18] =	ssyncadd.s32 $0xFFFFFF80  }
0x33: {  	[tilespmem:s30], [sflag:$0x7] =	stream.linear.gather [hbm4b:s29+s0], $0x1900, $0x38;
	[tilespmem:$0x1A190] =	vst v63  }
0x34: {  	_ =	swait.ge [sflag:s18], $0x1900  }
0x35: {  	[sflag:s18] =	ssyncset.done $0x0  }
0x36: {  	[sflag:s18] =	ssyncadd.s32 $0xFFFFE700  }
0x37: {  	s31 =	simm.s32 $0x0;
	v6 =	vld [tilespmem:$0x1A110]  }
0x38: {  	v9 =	vld [tilespmem:s31+$0xF200]  }
0x39: {  	v8 =	vld [tilespmem:$0x1A150]  }
0x3a: {  	v4 =	vld [tilespmem:$0x1A120]  }
0x3b: {  	v2 =	vld [tilespmem:$0x1A130]  }
0x3c: {  	v1 =	vld [tilespmem:$0x1A140]  }
0x3d: {  	v7 =	vld [tilespmem:$0x1A160];
	v10 =	vadd.f32 v9, v6  }
0x3e: {  	s0 =	simm.s32 $0x12440;
	v5 =	vld [tilespmem:$0x1A170];
	v9 =	vadd.f32 v9, v8  }
0x3f: {  	v3 =	vld [tilespmem:$0x1A180];
	[tilespmem:s0+$0xFFFFFFC0] =	vst v10  }
0x40: {  	[tilespmem:s0+$0x0] =	vst v9  }
0x41: {  	v9 =	vld [tilespmem:s31+$0xF210];
	_ =	sdelay $0x4  }
0x42: {  	v10 =	vadd.f32 v9, v4  }
0x43: {  	v9 =	vadd.f32 v9, v7  }
0x44: {  	[tilespmem:s0+$0xFFFFFFD0] =	vst v10  }
0x45: {  	[tilespmem:s0+$0x10] =	vst v9  }
0x46: {  	v9 =	vld [tilespmem:s31+$0xF220];
	_ =	sdelay $0x4  }
0x47: {  	v10 =	vadd.f32 v9, v5  }
0x48: {  	v9 =	vadd.f32 v9, v2  }
0x49: {  	[tilespmem:s0+$0x20] =	vst v10  }
0x4a: {  	[tilespmem:s0+$0xFFFFFFE0] =	vst v9  }
0x4b: {  	v9 =	vld [tilespmem:s31+$0xF230];
	_ =	sdelay $0x4  }
0x4c: {  	v10 =	vadd.f32 v9, v1  }
0x4d: {  	v9 =	vadd.f32 v9, v3  }
0x4e: {  	[tilespmem:s0+$0xFFFFFFF0] =	vst v10  }
0x4f: {  	s1 =	simm.s32 $0x40;
	[tilespmem:s0+$0x30] =	vst v9  }
0x50: {  	v9 =	vld [tilespmem:s1+$0xF200]  }
0x51: {  	s2 =	simm.s32 $0x200  }
.LBB2_2:
0x52: {  	p0 =	sne.s32 s2, $0xC700;
	_ =	sdelay $0x2  }
0x53: {  	v10 =	vadd.f32 v9, v6  }
0x54: {  	s0 =	sadd.s32 $0x80, s0;
	v9 =	vadd.f32 v9, v8  }
0x55: {  	[tilespmem:s0+$0xFFFFFFC0] =	vst v10  }
0x56: {  	[tilespmem:s0+$0x0] =	vst v9  }
0x57: {  	v9 =	vld [tilespmem:s1+$0xF210];
	_ =	sdelay $0x4  }
0x58: {  	v10 =	vadd.f32 v9, v4  }
0x59: {  	v9 =	vadd.f32 v9, v7  }
0x5a: {  	[tilespmem:s0+$0xFFFFFFD0] =	vst v10  }
0x5b: {  	[tilespmem:s0+$0x10] =	vst v9  }
0x5c: {  	v9 =	vld [tilespmem:s1+$0xF220];
	_ =	sdelay $0x4  }
0x5d: {  	v10 =	vadd.f32 v9, v2;
	v9 =	vadd.f32 v9, v5;
	_ =	sdelay $0x1  }
0x5e: {  	[tilespmem:s0+$0x20] =	vst v9  }
0x5f: {  	[tilespmem:s0+$0xFFFFFFE0] =	vst v10  }
0x60: {  	v9 =	vld [tilespmem:s1+$0xF230];
	_ =	sdelay $0x4  }
0x61: {  	v10 =	vadd.f32 v9, v1;
	v9 =	vadd.f32 v9, v3  }
.Ltmp2:
0x62: {  	(pc) =	sbr.rel @p0 .LBB2_2-.Ltmp2, $4  }
0x63: {  	[tilespmem:s0+$0xFFFFFFF0] =	vst v10  }
0x64: {  	s1 =	sshra.s32 s2, $0x2;
	[tilespmem:s0+$0x30] =	vst v9  }
0x65: {  	v9 =	vld [tilespmem:s1+$0xF200]  }
0x66: {  	s2 =	sadd.s32 $0x100, s2  }
0x67: {  	_ =	sdelay $0x2  }
0x68: {  	v6 =	vadd.f32 v9, v6  }
0x69: {  	s2 =	sadd.s32 $0x80, s0;
	v8 =	vadd.f32 v9, v8  }
0x6a: {  	[tilespmem:s2+$0xFFFFFFC0] =	vst v6  }
0x6b: {  	[tilespmem:s2+$0x0] =	vst v8  }
0x6c: {  	v6 =	vld [tilespmem:s1+$0xF210];
	_ =	sdelay $0x4  }
0x6d: {  	v4 =	vadd.f32 v6, v4  }
0x6e: {  	v6 =	vadd.f32 v6, v7  }
0x6f: {  	[tilespmem:s2+$0xFFFFFFD0] =	vst v4  }
0x70: {  	[tilespmem:s2+$0x10] =	vst v6  }
0x71: {  	v4 =	vld [tilespmem:s1+$0xF220];
	_ =	sdelay $0x4  }
0x72: {  	v5 =	vadd.f32 v4, v5  }
0x73: {  	v2 =	vadd.f32 v4, v2  }
0x74: {  	[tilespmem:s2+$0x20] =	vst v5  }
0x75: {  	[tilespmem:s2+$0xFFFFFFE0] =	vst v2  }
0x76: {  	v2 =	vld [tilespmem:s1+$0xF230];
	_ =	sdelay $0x4  }
0x77: {  	s31 =	simm.s32 $0x0;
	v1 =	vadd.f32 v2, v1  }
0x78: {  	v2 =	vadd.f32 v2, v3;
	v3 =	vor.u32 s31, v0  }
0x79: {  	[tilespmem:s2+$0xFFFFFFF0] =	vst v1;
	v1 =	vmulhi.u32 $0x51EB851F, v3  }
0x7a: {  	s29 =	simm.s32 $0x1900;
	[tilespmem:s2+$0x30] =	vst v2  }
0x7b: {  	v2 =	vld [tilespmem:s29+$0x0];
	v1 =	vshrl.u32 v1, $0x6  }
0x7c: {  	v1 =	vmul.u32 $0xC8, v1;
	_ =	sdelay $0x1  }
0x7d: {  	s30 =	simm.s32 $0x10;
	v1 =	vsub.s32 v3, v1  }
0x7e: {  	v4 =	vor.u32 s30, v0;
	v1 =	vshll.u32 v1, $0x1  }
0x7f: {  	v5 =	vmulhi.u32 $0x51EB851F, v4;
	s1 =	simm.s32 $0x18800;
	v1 =	vadd.s32 v1, v2  }
0x80: {  	s2 =	simm.s32 $0x1910;
	[tilespmem:s1+$0x0] =	vst v1  }
0x81: {  	v3 =	vshrl.u32 v5, $0x6;
	v2 =	vld [tilespmem:s2+$0x0]  }
0x82: {  	v3 =	vmul.u32 $0xC8, v3;
	_ =	sdelay $0x1  }
0x83: {  	s5 =	simm.s32 $0x20;
	v3 =	vsub.s32 v4, v3  }
0x84: {  	v1 =	vor.u32 s5, v0;
	s5 =	simm.s32 $0x30;
	v3 =	vshll.u32 v3, $0x1  }
.LBB2_4:
0x85: {  	p0 =	sne.s32 s5, $0x18F0;
	v4 =	vmulhi.u32 $0x51EB851F, v1;
	v2 =	vadd.s32 v3, v2;
	s1 =	sadd.s32 $0x10, s1  }
0x86: {  	s2 =	sadd.s32 $0x10, s2;
	[tilespmem:s1+$0x0] =	vst v2  }
.Ltmp3:
0x87: {  	v3 =	vshrl.u32 v4, $0x6;
	v2 =	vld [tilespmem:s2+$0x0];
	(pc) =	sbr.rel @p0 .LBB2_4-.Ltmp3, $3  }
0x88: {  	v3 =	vmul.u32 $0xC8, v3;
	_ =	sdelay $0x1  }
0x89: {  	v3 =	vsub.s32 v1, v3  }
0x8a: {  	v1 =	vor.u32 s5, v0;
	s5 =	sadd.s32 $0x10, s5;
	v3 =	vshll.u32 v3, $0x1  }
0x8b: {  	v4 =	vmulhi.u32 $0x51EB851F, v1;
	v2 =	vadd.s32 v3, v2;
	s1 =	sadd.s32 $0x10, s1  }
0x8c: {  	s2 =	sadd.s32 $0x10, s2;
	[tilespmem:s1+$0x0] =	vst v2  }
0x8d: {  	v2 =	vshrl.u32 v4, $0x6;
	v3 =	vld [tilespmem:s2+$0x0]  }
0x8e: {  	v2 =	vmul.u32 $0xC8, v2;
	_ =	sdelay $0x1  }
0x8f: {  	v1 =	vsub.s32 v1, v2  }
0x90: {  	v1 =	vshll.u32 v1, $0x1  }
0x91: {  	s0 =	simm.s32 $0x18907;
	s1 =	sadd.s32 $0x10, s1;
	v1 =	vadd.s32 v1, v3  }
0x92: {  	s16 =	simm.s32 $0x18804;
	s19 =	simm.s32 $0x18A07;
	[dreg:$0xd] =	wrdreg s0;
	[tilespmem:s1+$0x0] =	vst v1  }
.LBB2_6:
0x93: {  	p0 =	seq.s32 s31, $0x0  }
.Ltmp4:
0x94: {  	_ = 	snop;
	(pc) =	sbr.rel @p0 .LBB2_9-.Ltmp4, $3  }
0x95: {  	_ = 	snop  }
0x96: {  	s0 =	smul.u32 $0x3, s31;
	_ =	sdelay $0x1  }
0x97: {  	[dreg:$0xf] =	wrdreg s0;
	s4 =	sadd.s32 $0x2, s0  }
0x98: {  	p0 =	seq.s32 s31, $0x8  }
.Ltmp5:
0x99: {  	_ = 	snop;
	(pc) =	sbr.rel @p0 .LBB2_10-.Ltmp5, $1  }
0x9a: {  	_ =	sdelay $0x3  }
0x9b: {  	s0 =	simm.s32 $0x6  }
0x9c: {  	_ =	swait.ge [sflag:s0], $0x4000  }
0x9d: {  	[sflag:s0] =	ssyncset.done $0x0  }
0x9e: {  	[sflag:s0] =	ssyncadd.s32 $0xFFFFC000  }
.LBB2_9:
0x9f: {  	s1 =	sshll.u32 s4, $0x8;
	s0 =	rddreg [dreg:$0x3]  }
0xa0: {  	s2 =	simm.s32 $0x80;
	s3 =	simm.s32 $0xB200;
	s1 =	sand.u32 $0x3FFFFF00, s1  }
0xa1: {  	[tilespmem:s3], [sflag:$0x3] =	stream.indirect.gather [hbm4b:s0+s2], $0x40, s1, s2, $0xb8;
	[tilespmem:$0x1A190] =	vst v63  }
0xa2: {  	s30 =	simm.s32 $0xD200;
	s1 =	sor.u32 $0x80, s1  }
0xa3: {  	[tilespmem:s30], [sflag:$0x3] =	stream.indirect.gather [hbm4b:s0+s2], $0x40, s1, s2, $0xb8;
	[tilespmem:$0x1A190] =	vst v63  }
.LBB2_10:
0xa4: {  	[dreg:$0xe] =	wrdreg s4;
	s0 =	simm.s32 $0x1  }
0xa5: {  	_ =	swait.ge [sflag:s0], $0x4000  }
0xa6: {  	[sflag:s0] =	ssyncset.done $0x0  }
0xa7: {  	[sflag:s0] =	ssyncadd.s32 $0xFFFFC000  }
0xa8: {  	v1 =	vld [tilespmem:s16+$0x3];
	_ =	sdelay $0x1  }
0xa9: {  	v2 =	vld [tilespmem:s16+$0xFFFFFFFD]  }
0xaa: {  	v3 =	vld [tilespmem:s16+$0xFFFFFFFE]  }
0xab: {  	v4 =	vld [tilespmem:s16+$0xFFFFFFFF]  }
0xac: {  	(v2sf) =	vpush v1, $0x0  }
0xad: {  	v1 =	vld [tilespmem:s16+$0x0]  }
0xae: {  	v5 =	vld [tilespmem:s16+$0x1];
	(v2sf) =	vpush v2, $0x0  }
0xaf: {  	v6 =	vld [tilespmem:s16+$0x2];
	(v2sf) =	vpush v3, $0x0  }
0xb0: {  	(v2sf) =	vpush v4, $0x0  }
0xb1: {  	v2 =	vld [tilespmem:s16+$0xFFFFFFFC]  }
0xb2: {  	(v2sf) =	vpush v1, $0x0  }
0xb3: {  	(v2sf) =	vpush v5, $0x0  }
0xb4: {  	(v2sf) =	vpush v6, $0x0;
	_ =	sdelay $0x1  }
0xb5: {  	(v2sf) =	vpush v2, $0x0;
	_ =	sdelay $0x1  }
0xb6: {  	s1 =	simm.s32 $0x0  }
0xb7: {  	s22 =	simm.s32 $0x1C0;
	s1 =	sand.u32 $0x2000, s1  }
0xb8: {  	s25 =	sand.u32 $0x1FC0, s22;
	s8 =	sadd.s32 $0x3200, s1  }
0xb9: {  	s2 =	sadd.s32 s25, s8;
	s5 =	spop (v2sf)  }
0xba: {  	v2 =	vld [tilespmem:s2+$0x0];
	s26 =	sshll.u32 s5, $0x8;
	s5 =	simm.s32 $0x3220  }
0xbb: {  	s29 =	spop (v2sf);
	s12 =	sshra.s32 s26, $0x2;
	v1 =	vld [tilespmem:s5+$0x10]  }
0xbc: {  	s6 =	spop (v2sf);
	v3 =	vld [tilespmem:s12+$0x12400]  }
0xbd: {  	v4 =	vld [tilespmem:s5+$0x0];
	s1 =	sshll.u32 s29, $0x8;
	s7 =	spop (v2sf)  }
0xbe: {  	v5 =	vld [tilespmem:s5+$0xFFFFFFF0];
	s28 =	sshra.s32 s1, $0x2;
	s0 =	sshll.u32 s7, $0x8  }
0xbf: {  	v8 =	vld [tilespmem:s28+$0x12400];
	s9 =	spop (v2sf);
	s7 =	sshra.s32 s0, $0x2  }
0xc0: {  	s11 =	spop (v2sf);
	s3 =	sshll.u32 s9, $0x8;
	v10 =	vld [tilespmem:s7+$0x12400]  }
0xc1: {  	s17 =	spop (v2sf);
	s1 =	sshra.s32 s3, $0x2;
	v2 =	vadd.f32 v3, v2;
	v3 =	vld [tilespmem:s5+$0xFFFFFFE0]  }
0xc2: {  	s4 =	sshll.u32 s11, $0x8;
	v11 =	vld [tilespmem:s1+$0x12400];
	s11 =	sshll.u32 s17, $0x8  }
0xc3: {  	s14 =	spop (v2sf);
	s17 =	sshra.s32 s11, $0x2;
	[tilespmem:s2+$0x0] =	vst v2;
	v2 =	vld [tilespmem:s2+$0x10]  }
0xc4: {  	s14 =	sshll.u32 s14, $0x8;
	v13 =	vld [tilespmem:s17+$0x12400]  }
0xc5: {  	s13 =	simm.s32 $0x80;
	s6 =	sshll.u32 s6, $0x8;
	s23 =	sshra.s32 s14, $0x2;
	v6 =	vld [tilespmem:s12+$0x12410]  }
0xc6: {  	s18 =	simm.s32 $0xC0;
	s11 =	sand.u32 $0x1E80, s13;
	s14 =	sshra.s32 s6, $0x2;
	v7 =	vld [tilespmem:s23+$0x12400]  }
0xc7: {  	s9 =	sand.u32 $0x1EC0, s18;
	s26 =	sadd.s32 s11, s8;
	v9 =	vld [tilespmem:s14+$0x12400]  }
0xc8: {  	s11 =	sadd.s32 s9, s8;
	v15 =	vld [tilespmem:s26+$0x0]  }
0xc9: {  	s10 =	simm.s32 $0x40;
	v16 =	vld [tilespmem:s11+$0x0]  }
0xca: {  	s6 =	sand.u32 $0x1E40, s10;
	v59 =	vld [tilespmem:s26+$0x10]  }
0xcb: {  	s20 =	simm.s32 $0x100;
	s24 =	sadd.s32 s6, s8;
	v60 =	vld [tilespmem:s11+$0x10]  }
0xcc: {  	s25 =	simm.s32 $0x140;
	s6 =	sand.u32 $0x1F00, s20;
	v14 =	vld [tilespmem:s24+$0x0]  }
0xcd: {  	s25 =	sand.u32 $0x1F40, s25;
	s9 =	sadd.s32 s6, s8;
	v58 =	vld [tilespmem:s24+$0x10]  }
0xce: {  	s21 =	simm.s32 $0x180;
	s6 =	sadd.s32 s25, s8;
	v17 =	vld [tilespmem:s9+$0x0]  }
0xcf: {  	s25 =	sand.u32 $0x1F80, s21;
	v56 =	vld [tilespmem:s6+$0x0]  }
0xd0: {  	s8 =	sadd.s32 s25, s8;
	v61 =	vld [tilespmem:s6+$0x10]  }
0xd1: {  	s15 =	sshra.s32 s4, $0x2;
	v62 =	vld [tilespmem:s8+$0x10];
	v2 =	vadd.f32 v6, v2  }
0xd2: {  	v6 =	vld [tilespmem:s15+$0x12400];
	v3 =	vadd.f32 v7, v3  }
0xd3: {  	[tilespmem:s2+$0x10] =	vst v2;
	v2 =	vld [tilespmem:s2+$0x20]  }
0xd4: {  	v7 =	vadd.f32 v8, v14;
	[tilespmem:s5+$0xFFFFFFE0] =	vst v3;
	v3 =	vadd.f32 v9, v15;
	v9 =	vld [tilespmem:s8+$0x0]  }
0xd5: {  	v12 =	vld [tilespmem:s12+$0x12420]  }
0xd6: {  	[tilespmem:s24+$0x0] =	vst v7;
	v7 =	vadd.f32 v10, v16;
	v10 =	vld [tilespmem:s23+$0x12410]  }
0xd7: {  	[tilespmem:s26+$0x0] =	vst v3;
	v3 =	vadd.f32 v11, v17;
	v11 =	vld [tilespmem:s28+$0x12410]  }
0xd8: {  	[tilespmem:s11+$0x0] =	vst v7;
	v6 =	vadd.f32 v6, v56;
	v7 =	vld [tilespmem:s14+$0x12410]  }
0xd9: {  	[tilespmem:s9+$0x0] =	vst v3;
	v3 =	vld [tilespmem:s7+$0x12410]  }
0xda: {  	[tilespmem:s6+$0x0] =	vst v6;
	v6 =	vld [tilespmem:s1+$0x12410];
	v9 =	vadd.f32 v13, v9  }
0xdb: {  	v2 =	vadd.f32 v12, v2;
	v57 =	vld [tilespmem:s15+$0x12410]  }
0xdc: {  	v5 =	vadd.f32 v10, v5;
	v10 =	vld [tilespmem:s9+$0x10];
	[tilespmem:s8+$0x0] =	vst v9  }
0xdd: {  	[tilespmem:s2+$0x20] =	vst v2;
	v2 =	vld [tilespmem:s2+$0x30]  }
0xde: {  	v11 =	vadd.f32 v11, v58;
	v9 =	vld [tilespmem:s17+$0x12410]  }
0xdf: {  	[tilespmem:s5+$0xFFFFFFF0] =	vst v5;
	v5 =	vadd.f32 v7, v59;
	v8 =	vld [tilespmem:s12+$0x12430]  }
0xe0: {  	v63 =	vld [tilespmem:s24+$0x20];
	[tilespmem:s24+$0x10] =	vst v11;
	v3 =	vadd.f32 v3, v60  }
0xe1: {  	v11 =	vld [tilespmem:s23+$0x12420];
	[tilespmem:s26+$0x10] =	vst v5;
	v10 =	vadd.f32 v6, v10  }
0xe2: {  	v7 =	vld [tilespmem:s28+$0x12420];
	[tilespmem:s11+$0x10] =	vst v3;
	v3 =	vadd.f32 v57, v61  }
0xe3: {  	v5 =	vld [tilespmem:s14+$0x12420];
	[tilespmem:s9+$0x10] =	vst v10;
	v9 =	vadd.f32 v9, v62  }
0xe4: {  	v6 =	vld [tilespmem:s7+$0x12420];
	[tilespmem:s6+$0x10] =	vst v3;
	v8 =	vadd.f32 v8, v2  }
0xe5: {  	v2 =	vld [tilespmem:s1+$0x12420];
	[tilespmem:s8+$0x10] =	vst v9  }
0xe6: {  	s29 =	smul.u32 $0xC00, s31;
	v3 =	vld [tilespmem:s15+$0x12420];
	[tilespmem:s2+$0x30] =	vst v8  }
0xe7: {  	v10 =	vadd.f32 v11, v4;
	v4 =	vld [tilespmem:s17+$0x12420];
	[dreg:$0xc] =	wrdreg s31  }
0xe8: {  	v8 =	vadd.f32 v7, v63;
	[dreg:$0x10] =	wrdreg s29  }
0xe9: {  	[tilespmem:s5+$0x0] =	vst v10;
	v7 =	vld [tilespmem:s26+$0x20]  }
0xea: {  	s30 =	sadd.s32 $0x8, s16;
	s2 =	simm.s32 $0x0;
	s31 =	simm.s32 $0x3220;
	[tilespmem:s24+$0x20] =	vst v8;
	v8 =	vld [tilespmem:s11+$0x20]  }
.LBB2_11:
0xeb: {  	v9 =	vld [tilespmem:s30+$0x3];
	s2 =	sadd.s32 $0x8, s2  }
0xec: {  	v10 =	vld [tilespmem:s30+$0xFFFFFFFD];
	p0 =	slt.u32 s2, $0xF8  }
0xed: {  	v11 =	vld [tilespmem:s30+$0xFFFFFFFE]  }
0xee: {  	v12 =	vld [tilespmem:s30+$0xFFFFFFFF];
	v5 =	vadd.f32 v5, v7  }
0xef: {  	v7 =	vld [tilespmem:s30+$0x0];
	v6 =	vadd.f32 v6, v8  }
0xf0: {  	v8 =	vld [tilespmem:s30+$0x1];
	(v2sf) =	vpush v9, $0x0;
	[tilespmem:s26+$0x20] =	vst v5  }
0xf1: {  	v5 =	vld [tilespmem:s30+$0x2];
	(v2sf) =	vpush v10, $0x0;
	[tilespmem:s11+$0x20] =	vst v6  }
0xf2: {  	v6 =	vld [tilespmem:s30+$0xFFFFFFFC];
	(v2sf) =	vpush v11, $0x0  }
0xf3: {  	(v2sf) =	vpush v12, $0x0;
	v9 =	vld [tilespmem:s9+$0x20]  }
0xf4: {  	(v2sf) =	vpush v7, $0x0;
	v7 =	vld [tilespmem:s6+$0x20]  }
0xf5: {  	(v2sf) =	vpush v8, $0x0;
	v8 =	vld [tilespmem:s8+$0x20]  }
0xf6: {  	(v2sf) =	vpush v5, $0x0;
	v5 =	vld [tilespmem:s23+$0x12430]  }
0xf7: {  	(v2sf) =	vpush v6, $0x0;
	v6 =	vld [tilespmem:s28+$0x12430]  }
0xf8: {  	v10 =	vld [tilespmem:s14+$0x12430];
	v2 =	vadd.f32 v2, v9  }
0xf9: {  	v9 =	vld [tilespmem:s7+$0x12430];
	v3 =	vadd.f32 v3, v7  }
0xfa: {  	v7 =	vld [tilespmem:s24+$0x30];
	[tilespmem:s9+$0x20] =	vst v2;
	v2 =	vadd.f32 v4, v8  }
0xfb: {  	v1 =	vadd.f32 v5, v1;
	v4 =	vld [tilespmem:s1+$0x12430];
	[tilespmem:s6+$0x20] =	vst v3  }
0xfc: {  	s22 =	sadd.s32 $0x200, s22;
	s5 =	sadd.s32 $0x200, s5;
	v3 =	vld [tilespmem:s15+$0x12430];
	[tilespmem:s8+$0x20] =	vst v2  }
0xfd: {  	s14 =	sadd.s32 $0xFFFFFEC0, s22;
	s7 =	sadd.s32 $0xFFFFFE80, s22;
	s1 =	sadd.s32 $0xFFFFFE40, s22;
	[tilespmem:s31+$0x10] =	vst v1;
	v5 =	vld [tilespmem:s17+$0x12430]  }
0xfe: {  	s1 =	sand.u32 $0x2000, s1;
	s15 =	sadd.s32 $0xFFFFFF00, s22;
	s17 =	sadd.s32 $0xFFFFFF40, s22;
	v1 =	vld [tilespmem:s26+$0x30]  }
0xff: {  	s31 =	sadd.s32 $0x3200, s1;
	s1 =	sand.u32 $0x1FC0, s22;
	s23 =	spop (v2sf);
	v2 =	vadd.f32 v6, v7;
	v6 =	vld [tilespmem:s11+$0x30]  }
0x100: {  	s25 =	sadd.s32 s1, s31;
	s1 =	sshll.u32 s23, $0x8;
	s23 =	spop (v2sf);
	v7 =	vld [tilespmem:s9+$0x30]  }
0x101: {  	s28 =	sadd.s32 $0xFFFFFF80, s22;
	v8 =	vld [tilespmem:s25+$0x0];
	s29 =	sshra.s32 s1, $0x2;
	s1 =	spop (v2sf);
	[tilespmem:s24+$0x30] =	vst v2  }
0x102: {  	s3 =	sadd.s32 $0xFFFFFFC0, s22;
	s24 =	sshll.u32 s23, $0x8;
	v11 =	vld [tilespmem:s29+$0x12400];
	s23 =	spop (v2sf)  }
0x103: {  	s1 =	sshll.u32 s1, $0x8;
	s13 =	sshll.u32 s23, $0x8;
	s23 =	spop (v2sf);
	v2 =	vadd.f32 v10, v1;
	v10 =	vld [tilespmem:s6+$0x30]  }
0x104: {  	s10 =	sand.u32 $0x1E40, s7;
	s20 =	sshll.u32 s23, $0x8;
	s7 =	spop (v2sf);
	v6 =	vadd.f32 v9, v6;
	v9 =	vld [tilespmem:s8+$0x30]  }
0x105: {  	s4 =	sand.u32 $0x1E80, s14;
	v1 =	vld [tilespmem:s5+$0x10];
	s21 =	sshll.u32 s7, $0x8;
	s7 =	spop (v2sf);
	[tilespmem:s26+$0x30] =	vst v2;
	v4 =	vadd.f32 v4, v7  }
0x106: {  	s12 =	sand.u32 $0x1EC0, s15;
	v2 =	vld [tilespmem:s5+$0x0];
	s26 =	sshll.u32 s7, $0x8;
	s7 =	spop (v2sf);
	[tilespmem:s11+$0x30] =	vst v6  }
0x107: {  	s18 =	sand.u32 $0x1F40, s28;
	s0 =	sand.u32 $0x1F00, s17;
	s7 =	sshll.u32 s7, $0x8;
	v6 =	vld [tilespmem:s5+$0xFFFFFFF0];
	v7 =	vadd.f32 v11, v8;
	[tilespmem:s9+$0x30] =	vst v4  }
0x108: {  	s3 =	sand.u32 $0x1F80, s3;
	s28 =	sshra.s32 s24, $0x2;
	v4 =	vld [tilespmem:s5+$0xFFFFFFE0];
	s23 =	sshra.s32 s7, $0x2;
	v3 =	vadd.f32 v3, v10  }
0x109: {  	s14 =	sshra.s32 s1, $0x2;
	s1 =	sshra.s32 s20, $0x2;
	s7 =	sshra.s32 s13, $0x2;
	[tilespmem:s25+$0x0] =	vst v7;
	v7 =	vld [tilespmem:s25+$0x10];
	v5 =	vadd.f32 v5, v9  }
0x10a: {  	s24 =	sadd.s32 s10, s31;
	s15 =	sshra.s32 s21, $0x2;
	s17 =	sshra.s32 s26, $0x2;
	v8 =	vld [tilespmem:s29+$0x12410];
	[tilespmem:s6+$0x30] =	vst v3  }
0x10b: {  	s11 =	sadd.s32 s12, s31;
	s26 =	sadd.s32 s4, s31;
	s9 =	sadd.s32 s0, s31;
	v3 =	vld [tilespmem:s23+$0x12400];
	[tilespmem:s8+$0x30] =	vst v5  }
0x10c: {  	s6 =	sadd.s32 s18, s31;
	s8 =	sadd.s32 s3, s31;
	s31 =	smov.u32 s5;
	v5 =	vld [tilespmem:s28+$0x12400]  }
0x10d: {  	v9 =	vld [tilespmem:s14+$0x12400]  }
0x10e: {  	v10 =	vld [tilespmem:s7+$0x12400]  }
0x10f: {  	v11 =	vld [tilespmem:s1+$0x12400];
	v7 =	vadd.f32 v8, v7  }
0x110: {  	v3 =	vadd.f32 v3, v4;
	v4 =	vld [tilespmem:s15+$0x12400]  }
0x111: {  	[tilespmem:s25+$0x10] =	vst v7;
	v7 =	vld [tilespmem:s25+$0x20]  }
0x112: {  	[tilespmem:s5+$0xFFFFFFE0] =	vst v3;
	v3 =	vld [tilespmem:s29+$0x12420]  }
0x113: {  	v8 =	vld [tilespmem:s17+$0x12400]  }
0x114: {  	v12 =	vld [tilespmem:s24+$0x0]  }
0x115: {  	v13 =	vld [tilespmem:s26+$0x0]  }
0x116: {  	v14 =	vld [tilespmem:s11+$0x0]  }
0x117: {  	v15 =	vld [tilespmem:s9+$0x0];
	v3 =	vadd.f32 v3, v7  }
0x118: {  	v7 =	vld [tilespmem:s6+$0x0]  }
0x119: {  	v5 =	vadd.f32 v5, v12;
	[tilespmem:s25+$0x20] =	vst v3;
	v3 =	vld [tilespmem:s25+$0x30]  }
0x11a: {  	v9 =	vadd.f32 v9, v13;
	v12 =	vld [tilespmem:s29+$0x12430]  }
0x11b: {  	[tilespmem:s24+$0x0] =	vst v5;
	v5 =	vadd.f32 v10, v14;
	v10 =	vld [tilespmem:s8+$0x0]  }
0x11c: {  	v13 =	vld [tilespmem:s23+$0x12410];
	[tilespmem:s26+$0x0] =	vst v9;
	v9 =	vadd.f32 v11, v15  }
0x11d: {  	v11 =	vld [tilespmem:s28+$0x12410];
	[tilespmem:s11+$0x0] =	vst v5;
	v4 =	vadd.f32 v4, v7  }
0x11e: {  	v5 =	vld [tilespmem:s14+$0x12410];
	[tilespmem:s9+$0x0] =	vst v9  }
0x11f: {  	v7 =	vld [tilespmem:s7+$0x12410];
	[tilespmem:s6+$0x0] =	vst v4;
	v3 =	vadd.f32 v12, v3  }
0x120: {  	v4 =	vld [tilespmem:s1+$0x12410];
	v8 =	vadd.f32 v8, v10  }
0x121: {  	v6 =	vadd.f32 v13, v6;
	v9 =	vld [tilespmem:s15+$0x12410];
	[tilespmem:s25+$0x30] =	vst v3  }
0x122: {  	v3 =	vld [tilespmem:s24+$0x10];
	[tilespmem:s8+$0x0] =	vst v8  }
0x123: {  	[tilespmem:s5+$0xFFFFFFF0] =	vst v6;
	v8 =	vld [tilespmem:s17+$0x12410]  }
0x124: {  	v6 =	vld [tilespmem:s26+$0x10]  }
0x125: {  	v10 =	vld [tilespmem:s11+$0x10]  }
0x126: {  	v12 =	vld [tilespmem:s9+$0x10]  }
0x127: {  	v3 =	vadd.f32 v11, v3;
	v11 =	vld [tilespmem:s6+$0x10]  }
0x128: {  	v13 =	vld [tilespmem:s8+$0x10]  }
0x129: {  	v14 =	vld [tilespmem:s23+$0x12420];
	[tilespmem:s24+$0x10] =	vst v3;
	v3 =	vadd.f32 v5, v6  }
0x12a: {  	v15 =	vld [tilespmem:s28+$0x12420];
	v6 =	vadd.f32 v7, v10  }
0x12b: {  	v7 =	vld [tilespmem:s24+$0x20];
	[tilespmem:s26+$0x10] =	vst v3;
	v3 =	vadd.f32 v4, v12  }
0x12c: {  	v5 =	vld [tilespmem:s14+$0x12420];
	[tilespmem:s11+$0x10] =	vst v6;
	v4 =	vadd.f32 v9, v11  }
0x12d: {  	v6 =	vld [tilespmem:s7+$0x12420];
	[tilespmem:s9+$0x10] =	vst v3;
	v8 =	vadd.f32 v8, v13  }
.Ltmp6:
0x12e: {  	v9 =	vadd.f32 v14, v2;
	v2 =	vld [tilespmem:s1+$0x12420];
	[tilespmem:s6+$0x10] =	vst v4;
	(pc) =	sbr.rel @p0 .LBB2_11-.Ltmp6, $4  }
0x12f: {  	v3 =	vld [tilespmem:s15+$0x12420];
	[tilespmem:s8+$0x10] =	vst v8  }
0x130: {  	[tilespmem:s5+$0x0] =	vst v9;
	v8 =	vadd.f32 v15, v7;
	v4 =	vld [tilespmem:s17+$0x12420]  }
0x131: {  	v7 =	vld [tilespmem:s26+$0x20]  }
0x132: {  	s30 =	sadd.s32 $0x8, s30;
	[tilespmem:s24+$0x20] =	vst v8;
	v8 =	vld [tilespmem:s11+$0x20]  }
0x133: {  	v9 =	vld [tilespmem:s9+$0x20]  }
0x134: {  	v10 =	vld [tilespmem:s6+$0x20]  }
0x135: {  	v53 =	vld [tilespmem:s8+$0x20]  }
0x136: {  	v54 =	vld [tilespmem:s23+$0x12430]  }
0x137: {  	v55 =	vld [tilespmem:s28+$0x12430]  }
0x138: {  	v58 =	vld [tilespmem:s24+$0x30]  }
0x139: {  	v60 =	vld [tilespmem:s26+$0x30];
	v5 =	vadd.f32 v5, v7  }
0x13a: {  	v11 =	vld [tilespmem:s11+$0x30];
	v6 =	vadd.f32 v6, v8  }
0x13b: {  	v12 =	vld [tilespmem:s9+$0x30];
	[tilespmem:s26+$0x20] =	vst v5;
	v2 =	vadd.f32 v2, v9  }
0x13c: {  	[tilespmem:s11+$0x20] =	vst v6;
	v56 =	vld [tilespmem:s14+$0x12430]  }
0x13d: {  	v3 =	vadd.f32 v3, v10;
	v57 =	vld [tilespmem:s7+$0x12430];
	[tilespmem:s9+$0x20] =	vst v2  }
0x13e: {  	v1 =	vadd.f32 v54, v1;
	v59 =	vld [tilespmem:s1+$0x12430]  }
0x13f: {  	v61 =	vld [tilespmem:s6+$0x30];
	v2 =	vadd.f32 v4, v53;
	[tilespmem:s6+$0x20] =	vst v3  }
0x140: {  	v62 =	vld [tilespmem:s8+$0x30];
	v5 =	vadd.f32 v55, v58;
	[tilespmem:s31+$0x10] =	vst v1  }
0x141: {  	v3 =	vld [tilespmem:s15+$0x12430];
	[tilespmem:s8+$0x20] =	vst v2;
	v1 =	vadd.f32 v56, v60  }
0x142: {  	[tilespmem:s24+$0x30] =	vst v5;
	v2 =	vld [tilespmem:s17+$0x12430];
	v63 =	vadd.f32 v57, v11  }
0x143: {  	[tilespmem:s26+$0x30] =	vst v1;
	v1 =	vadd.f32 v59, v12  }
0x144: {  	s3 =	rddreg [dreg:$0xc];
	[tilespmem:s11+$0x30] =	vst v63  }
0x145: {  	s0 =	smul.u32 $0x6, s3;
	[tilespmem:s9+$0x30] =	vst v1;
	p0 =	seq.s32 s3, $0x8  }
.Ltmp7:
0x146: {  	v3 =	vadd.f32 v3, v61;
	s29 =	rddreg [dreg:$0x6];
	(pc) =	sbr.rel @p0 .LBB2_18-.Ltmp7, $4  }
0x147: {  	v1 =	vadd.f32 v2, v62;
	s0 =	sadd.s32 s29, s0  }
0x148: {  	s30 =	rddreg [dreg:$0x1];
	[tilespmem:s6+$0x30] =	vst v3;
	s0 =	sshll.u32 s0, $0xA  }
0x149: {  	s2 =	simm.s32 $0x3200;
	s31 =	simm.s32 $0x0;
	[tilespmem:s8+$0x30] =	vst v1;
	s0 =	sadd.s32 s30, s0  }
0x14a: {  	[hbm4b:s0+s31] =	stream.linear.scatter [tilespmem:s2], [sflag:$0x4], $0x4000, $0x38;
	[tilespmem:$0x1A190] =	vst v63  }
0x14b: {  	s0 =	simm.s32 $0x4  }
0x14c: {  	_ =	swait.ge [sflag:s0], $0x4000  }
0x14d: {  	s2 =	simm.s32 $0x80;
	s1 =	rddreg [dreg:$0x10]  }
0x14e: {  	s3 =	simm.s32 $0x3200;
	[sflag:s0] =	ssyncset.done $0x0;
	s22 =	sshra.s32 s1, $0x2  }
0x14f: {  	s8 =	rddreg [dreg:$0x3];
	[sflag:s0] =	ssyncadd.s32 $0xFFFFC000;
	s7 =	sadd.s32 $0x300, s22  }
0x150: {  	[tilespmem:s3], [sflag:$0x1] =	stream.indirect.gather [hbm4b:s8+s2], $0x40, s7, s2, $0xb8;
	[tilespmem:$0x1A190] =	vst v63  }
0x151: {  	s10 =	simm.s32 $0x5200;
	s11 =	simm.s32 $0x2;
	s9 =	sadd.s32 $0x380, s22  }
0x152: {  	[tilespmem:s10], [sflag:$0x1] =	stream.indirect.gather [hbm4b:s8+s2], $0x40, s9, s2, $0xb8;
	[tilespmem:$0x1A190] =	vst v63  }
0x153: {  	_ =	swait.ge [sflag:s11], $0x4000  }
0x154: {  	[sflag:s11] =	ssyncset.done $0x0  }
0x155: {  	s13 =	rddreg [dreg:$0xd];
	[sflag:s11] =	ssyncadd.s32 $0xFFFFC000  }
0x156: {  	v1 =	vld [tilespmem:s13+$0x0]  }
0x157: {  	v2 =	vld [tilespmem:s13+$0xFFFFFFFA]  }
0x158: {  	v3 =	vld [tilespmem:s13+$0xFFFFFFFB];
	_ =	sdelay $0x2  }
0x159: {  	(v2sf) =	vpush v1, $0x0  }
0x15a: {  	v4 =	vld [tilespmem:s13+$0xFFFFFFFC];
	(v2sf) =	vpush v2, $0x0  }
0x15b: {  	v1 =	vld [tilespmem:s13+$0xFFFFFFFD];
	(v2sf) =	vpush v3, $0x0  }
0x15c: {  	v5 =	vld [tilespmem:s13+$0xFFFFFFFE]  }
0x15d: {  	v6 =	vld [tilespmem:s13+$0xFFFFFFFF];
	_ =	sdelay $0x1  }
0x15e: {  	(v2sf) =	vpush v4, $0x0  }
0x15f: {  	(v2sf) =	vpush v1, $0x0  }
0x160: {  	v2 =	vld [tilespmem:s13+$0xFFFFFFF9];
	(v2sf) =	vpush v5, $0x0  }
0x161: {  	(v2sf) =	vpush v6, $0x0;
	_ =	sdelay $0x3  }
0x162: {  	s12 =	simm.s32 $0x0;
	(v2sf) =	vpush v2, $0x0  }
0x163: {  	s5 =	simm.s32 $0x1C0;
	s6 =	simm.s32 $0x7220;
	s0 =	sand.u32 $0x2000, s12  }
0x164: {  	s14 =	sand.u32 $0x1FC0, s5;
	s9 =	sadd.s32 $0x7200, s0;
	s15 =	spop (v2sf)  }
0x165: {  	s2 =	sadd.s32 s14, s9;
	v5 =	vld [tilespmem:s6+$0xFFFFFFF0];
	s17 =	sshll.u32 s15, $0x8;
	s18 =	spop (v2sf)  }
0x166: {  	v2 =	vld [tilespmem:s2+$0x0];
	s25 =	sshra.s32 s17, $0x2;
	s20 =	spop (v2sf);
	s0 =	sshll.u32 s18, $0x8  }
0x167: {  	s3 =	simm.s32 $0x40;
	v3 =	vld [tilespmem:s25+$0x12400];
	s1 =	sshll.u32 s20, $0x8;
	s28 =	sshra.s32 s0, $0x2  }
0x168: {  	s0 =	sand.u32 $0x1E40, s3;
	s14 =	sshra.s32 s1, $0x2;
	v8 =	vld [tilespmem:s28+$0x12400]  }
0x169: {  	s11 =	simm.s32 $0x100;
	s12 =	sadd.s32 s0, s9;
	v9 =	vld [tilespmem:s14+$0x12400]  }
0x16a: {  	s21 =	spop (v2sf);
	s0 =	sand.u32 $0x1F00, s11;
	v14 =	vld [tilespmem:s12+$0x0]  }
0x16b: {  	s4 =	spop (v2sf);
	s11 =	sadd.s32 s0, s9;
	v58 =	vld [tilespmem:s12+$0x10]  }
0x16c: {  	s8 =	spop (v2sf);
	s26 =	sshll.u32 s4, $0x8;
	v17 =	vld [tilespmem:s11+$0x0]  }
0x16d: {  	s18 =	simm.s32 $0x140;
	s10 =	spop (v2sf);
	s1 =	sshra.s32 s26, $0x2;
	v2 =	vadd.f32 v3, v2;
	v3 =	vld [tilespmem:s6+$0xFFFFFFE0]  }
0x16e: {  	s20 =	sand.u32 $0x1F40, s18;
	v11 =	vld [tilespmem:s1+$0x12400];
	s4 =	sshll.u32 s10, $0x8  }
0x16f: {  	s29 =	sshll.u32 s8, $0x8;
	s8 =	simm.s32 $0x80;
	s17 =	sshra.s32 s4, $0x2;
	[tilespmem:s2+$0x0] =	vst v2;
	v2 =	vld [tilespmem:s2+$0x10]  }
0x170: {  	s4 =	sand.u32 $0x1E80, s8;
	s8 =	sadd.s32 s20, s9;
	v13 =	vld [tilespmem:s17+$0x12400]  }
0x171: {  	s7 =	spop (v2sf);
	v56 =	vld [tilespmem:s8+$0x0]  }
0x172: {  	s7 =	sshll.u32 s7, $0x8;
	v61 =	vld [tilespmem:s8+$0x10]  }
0x173: {  	s24 =	sshll.u32 s21, $0x8;
	s23 =	sshra.s32 s7, $0x2;
	v6 =	vld [tilespmem:s25+$0x12410]  }
0x174: {  	s10 =	simm.s32 $0xC0;
	s7 =	sshra.s32 s24, $0x2;
	v7 =	vld [tilespmem:s23+$0x12400]  }
0x175: {  	s3 =	sand.u32 $0x1EC0, s10;
	s24 =	sadd.s32 s4, s9;
	v10 =	vld [tilespmem:s7+$0x12400]  }
0x176: {  	s26 =	sadd.s32 s3, s9;
	v15 =	vld [tilespmem:s24+$0x0]  }
0x177: {  	s21 =	simm.s32 $0x180;
	v16 =	vld [tilespmem:s26+$0x0]  }
0x178: {  	s0 =	sand.u32 $0x1F80, s21;
	v59 =	vld [tilespmem:s24+$0x10]  }
0x179: {  	s9 =	sadd.s32 s0, s9;
	v60 =	vld [tilespmem:s26+$0x10]  }
0x17a: {  	s15 =	sshra.s32 s29, $0x2;
	v62 =	vld [tilespmem:s9+$0x10];
	v2 =	vadd.f32 v6, v2  }
0x17b: {  	v6 =	vld [tilespmem:s15+$0x12400];
	v3 =	vadd.f32 v7, v3  }
0x17c: {  	[tilespmem:s2+$0x10] =	vst v2;
	v2 =	vld [tilespmem:s2+$0x20]  }
0x17d: {  	v7 =	vadd.f32 v8, v14;
	[tilespmem:s6+$0xFFFFFFE0] =	vst v3;
	v3 =	vadd.f32 v9, v15;
	v9 =	vld [tilespmem:s9+$0x0]  }
0x17e: {  	v12 =	vld [tilespmem:s25+$0x12420]  }
0x17f: {  	[tilespmem:s12+$0x0] =	vst v7;
	v7 =	vadd.f32 v10, v16;
	v10 =	vld [tilespmem:s23+$0x12410]  }
0x180: {  	[tilespmem:s24+$0x0] =	vst v3;
	v3 =	vadd.f32 v11, v17;
	v11 =	vld [tilespmem:s28+$0x12410]  }
0x181: {  	[tilespmem:s26+$0x0] =	vst v7;
	v6 =	vadd.f32 v6, v56;
	v7 =	vld [tilespmem:s14+$0x12410]  }
0x182: {  	[tilespmem:s11+$0x0] =	vst v3;
	v3 =	vld [tilespmem:s7+$0x12410]  }
0x183: {  	[tilespmem:s8+$0x0] =	vst v6;
	v6 =	vld [tilespmem:s1+$0x12410];
	v9 =	vadd.f32 v13, v9  }
0x184: {  	v2 =	vadd.f32 v12, v2;
	v57 =	vld [tilespmem:s15+$0x12410]  }
0x185: {  	v5 =	vadd.f32 v10, v5;
	v10 =	vld [tilespmem:s11+$0x10];
	[tilespmem:s9+$0x0] =	vst v9  }
0x186: {  	[tilespmem:s2+$0x20] =	vst v2;
	v2 =	vld [tilespmem:s2+$0x30]  }
0x187: {  	v11 =	vadd.f32 v11, v58;
	v9 =	vld [tilespmem:s17+$0x12410]  }
0x188: {  	[tilespmem:s6+$0xFFFFFFF0] =	vst v5;
	v5 =	vadd.f32 v7, v59;
	v8 =	vld [tilespmem:s25+$0x12430]  }
0x189: {  	v4 =	vld [tilespmem:s6+$0x0];
	[tilespmem:s12+$0x10] =	vst v11;
	v3 =	vadd.f32 v3, v60  }
0x18a: {  	v1 =	vld [tilespmem:s6+$0x10];
	[tilespmem:s24+$0x10] =	vst v5;
	v10 =	vadd.f32 v6, v10  }
0x18b: {  	v63 =	vld [tilespmem:s12+$0x20];
	[tilespmem:s26+$0x10] =	vst v3;
	v3 =	vadd.f32 v57, v61  }
0x18c: {  	v11 =	vld [tilespmem:s23+$0x12420];
	[tilespmem:s11+$0x10] =	vst v10;
	v9 =	vadd.f32 v9, v62  }
0x18d: {  	v7 =	vld [tilespmem:s28+$0x12420];
	[tilespmem:s8+$0x10] =	vst v3;
	v8 =	vadd.f32 v8, v2  }
0x18e: {  	v5 =	vld [tilespmem:s14+$0x12420];
	[tilespmem:s9+$0x10] =	vst v9  }
0x18f: {  	v6 =	vld [tilespmem:s7+$0x12420];
	[tilespmem:s2+$0x30] =	vst v8  }
0x190: {  	v2 =	vld [tilespmem:s1+$0x12420];
	s29 =	rddreg [dreg:$0xf]  }
0x191: {  	v10 =	vadd.f32 v11, v4;
	v3 =	vld [tilespmem:s15+$0x12420];
	s0 =	sadd.s32 $0x1, s29  }
0x192: {  	v8 =	vadd.f32 v7, v63;
	v4 =	vld [tilespmem:s17+$0x12420];
	[dreg:$0x11] =	wrdreg s0  }
0x193: {  	[tilespmem:s6+$0x0] =	vst v10;
	v7 =	vld [tilespmem:s24+$0x20]  }
0x194: {  	s31 =	simm.s32 $0x7220;
	s30 =	sadd.s32 $0x8, s13;
	s2 =	simm.s32 $0x0;
	[tilespmem:s12+$0x20] =	vst v8;
	v8 =	vld [tilespmem:s26+$0x20]  }
.LBB2_14:
0x195: {  	v9 =	vld [tilespmem:s30+$0x0];
	s2 =	sadd.s32 $0x8, s2  }
0x196: {  	v10 =	vld [tilespmem:s30+$0xFFFFFFFA];
	p0 =	slt.u32 s2, $0xF8  }
0x197: {  	v11 =	vld [tilespmem:s30+$0xFFFFFFFB]  }
0x198: {  	v12 =	vld [tilespmem:s30+$0xFFFFFFFC];
	v5 =	vadd.f32 v5, v7  }
0x199: {  	v7 =	vld [tilespmem:s30+$0xFFFFFFFD];
	v6 =	vadd.f32 v6, v8  }
0x19a: {  	v8 =	vld [tilespmem:s30+$0xFFFFFFFE];
	(v2sf) =	vpush v9, $0x0;
	[tilespmem:s24+$0x20] =	vst v5  }
0x19b: {  	v5 =	vld [tilespmem:s30+$0xFFFFFFFF];
	(v2sf) =	vpush v10, $0x0;
	[tilespmem:s26+$0x20] =	vst v6  }
0x19c: {  	v6 =	vld [tilespmem:s30+$0xFFFFFFF9];
	(v2sf) =	vpush v11, $0x0  }
0x19d: {  	(v2sf) =	vpush v12, $0x0;
	v9 =	vld [tilespmem:s11+$0x20]  }
0x19e: {  	(v2sf) =	vpush v7, $0x0;
	v7 =	vld [tilespmem:s8+$0x20]  }
0x19f: {  	(v2sf) =	vpush v8, $0x0;
	v8 =	vld [tilespmem:s9+$0x20]  }
0x1a0: {  	(v2sf) =	vpush v5, $0x0;
	v5 =	vld [tilespmem:s23+$0x12430]  }
0x1a1: {  	(v2sf) =	vpush v6, $0x0;
	v6 =	vld [tilespmem:s28+$0x12430]  }
0x1a2: {  	v10 =	vld [tilespmem:s14+$0x12430];
	v2 =	vadd.f32 v2, v9  }
0x1a3: {  	v9 =	vld [tilespmem:s7+$0x12430];
	v3 =	vadd.f32 v3, v7  }
0x1a4: {  	v7 =	vld [tilespmem:s12+$0x30];
	[tilespmem:s11+$0x20] =	vst v2;
	v2 =	vadd.f32 v4, v8  }
0x1a5: {  	v1 =	vadd.f32 v5, v1;
	v4 =	vld [tilespmem:s1+$0x12430];
	[tilespmem:s8+$0x20] =	vst v3  }
0x1a6: {  	s5 =	sadd.s32 $0x200, s5;
	s6 =	sadd.s32 $0x200, s6;
	v3 =	vld [tilespmem:s15+$0x12430];
	[tilespmem:s9+$0x20] =	vst v2  }
0x1a7: {  	s0 =	sadd.s32 $0xFFFFFE40, s5;
	s3 =	sadd.s32 $0xFFFFFEC0, s5;
	s1 =	sadd.s32 $0xFFFFFE80, s5;
	[tilespmem:s31+$0x10] =	vst v1;
	v5 =	vld [tilespmem:s17+$0x12430]  }
0x1a8: {  	s4 =	sadd.s32 $0xFFFFFF00, s5;
	s0 =	sand.u32 $0x2000, s0;
	s7 =	sadd.s32 $0xFFFFFF40, s5;
	v1 =	vld [tilespmem:s24+$0x30]  }
0x1a9: {  	s31 =	sadd.s32 $0x7200, s0;
	s0 =	sand.u32 $0x1FC0, s5;
	s10 =	spop (v2sf);
	v2 =	vadd.f32 v6, v7;
	v6 =	vld [tilespmem:s26+$0x30]  }
0x1aa: {  	s25 =	sadd.s32 s0, s31;
	s0 =	sshll.u32 s10, $0x8;
	s10 =	spop (v2sf);
	v7 =	vld [tilespmem:s11+$0x30]  }
0x1ab: {  	s13 =	sadd.s32 $0xFFFFFF80, s5;
	v8 =	vld [tilespmem:s25+$0x0];
	s29 =	sshra.s32 s0, $0x2;
	s0 =	spop (v2sf);
	[tilespmem:s12+$0x30] =	vst v2  }
0x1ac: {  	s10 =	sshll.u32 s10, $0x8;
	s12 =	sadd.s32 $0xFFFFFFC0, s5;
	v11 =	vld [tilespmem:s29+$0x12400];
	s14 =	spop (v2sf)  }
0x1ad: {  	s0 =	sshll.u32 s0, $0x8;
	s15 =	sshll.u32 s14, $0x8;
	s14 =	spop (v2sf);
	v2 =	vadd.f32 v10, v1;
	v10 =	vld [tilespmem:s8+$0x30]  }
0x1ae: {  	s17 =	sand.u32 $0x1E40, s1;
	s1 =	sshll.u32 s14, $0x8;
	s14 =	spop (v2sf);
	v6 =	vadd.f32 v9, v6;
	v9 =	vld [tilespmem:s9+$0x30]  }
0x1af: {  	s3 =	sand.u32 $0x1E80, s3;
	v1 =	vld [tilespmem:s6+$0x10];
	s18 =	sshll.u32 s14, $0x8;
	s14 =	spop (v2sf);
	[tilespmem:s24+$0x30] =	vst v2;
	v4 =	vadd.f32 v4, v7  }
0x1b0: {  	s4 =	sand.u32 $0x1EC0, s4;
	v2 =	vld [tilespmem:s6+$0x0];
	s20 =	sshll.u32 s14, $0x8;
	s14 =	spop (v2sf);
	[tilespmem:s26+$0x30] =	vst v6  }
0x1b1: {  	s13 =	sand.u32 $0x1F40, s13;
	s21 =	sand.u32 $0x1F00, s7;
	s14 =	sshll.u32 s14, $0x8;
	v6 =	vld [tilespmem:s6+$0xFFFFFFF0];
	v7 =	vadd.f32 v11, v8;
	[tilespmem:s11+$0x30] =	vst v4  }
0x1b2: {  	s28 =	sshra.s32 s10, $0x2;
	s10 =	sand.u32 $0x1F80, s12;
	v4 =	vld [tilespmem:s6+$0xFFFFFFE0];
	s23 =	sshra.s32 s14, $0x2;
	v3 =	vadd.f32 v3, v10  }
0x1b3: {  	s7 =	sshra.s32 s15, $0x2;
	s1 =	sshra.s32 s1, $0x2;
	s14 =	sshra.s32 s0, $0x2;
	[tilespmem:s25+$0x0] =	vst v7;
	v7 =	vld [tilespmem:s25+$0x10];
	v5 =	vadd.f32 v5, v9  }
0x1b4: {  	s12 =	sadd.s32 s17, s31;
	s15 =	sshra.s32 s18, $0x2;
	s17 =	sshra.s32 s20, $0x2;
	v8 =	vld [tilespmem:s29+$0x12410];
	[tilespmem:s8+$0x30] =	vst v3  }
0x1b5: {  	s24 =	sadd.s32 s3, s31;
	s26 =	sadd.s32 s4, s31;
	s11 =	sadd.s32 s21, s31;
	v3 =	vld [tilespmem:s23+$0x12400];
	[tilespmem:s9+$0x30] =	vst v5  }
0x1b6: {  	s8 =	sadd.s32 s13, s31;
	s9 =	sadd.s32 s10, s31;
	s31 =	smov.u32 s6;
	v5 =	vld [tilespmem:s28+$0x12400]  }
0x1b7: {  	v9 =	vld [tilespmem:s14+$0x12400]  }
0x1b8: {  	v10 =	vld [tilespmem:s7+$0x12400]  }
0x1b9: {  	v11 =	vld [tilespmem:s1+$0x12400];
	v7 =	vadd.f32 v8, v7  }
0x1ba: {  	v3 =	vadd.f32 v3, v4;
	v4 =	vld [tilespmem:s15+$0x12400]  }
0x1bb: {  	[tilespmem:s25+$0x10] =	vst v7;
	v7 =	vld [tilespmem:s25+$0x20]  }
0x1bc: {  	[tilespmem:s6+$0xFFFFFFE0] =	vst v3;
	v3 =	vld [tilespmem:s29+$0x12420]  }
0x1bd: {  	v8 =	vld [tilespmem:s17+$0x12400]  }
0x1be: {  	v12 =	vld [tilespmem:s12+$0x0]  }
0x1bf: {  	v13 =	vld [tilespmem:s24+$0x0]  }
0x1c0: {  	v14 =	vld [tilespmem:s26+$0x0]  }
0x1c1: {  	v15 =	vld [tilespmem:s11+$0x0];
	v3 =	vadd.f32 v3, v7  }
0x1c2: {  	v7 =	vld [tilespmem:s8+$0x0]  }
0x1c3: {  	v5 =	vadd.f32 v5, v12;
	[tilespmem:s25+$0x20] =	vst v3;
	v3 =	vld [tilespmem:s25+$0x30]  }
0x1c4: {  	v9 =	vadd.f32 v9, v13;
	v12 =	vld [tilespmem:s29+$0x12430]  }
0x1c5: {  	[tilespmem:s12+$0x0] =	vst v5;
	v5 =	vadd.f32 v10, v14;
	v10 =	vld [tilespmem:s9+$0x0]  }
0x1c6: {  	v13 =	vld [tilespmem:s23+$0x12410];
	[tilespmem:s24+$0x0] =	vst v9;
	v9 =	vadd.f32 v11, v15  }
0x1c7: {  	v11 =	vld [tilespmem:s28+$0x12410];
	[tilespmem:s26+$0x0] =	vst v5;
	v4 =	vadd.f32 v4, v7  }
0x1c8: {  	v5 =	vld [tilespmem:s14+$0x12410];
	[tilespmem:s11+$0x0] =	vst v9  }
0x1c9: {  	v7 =	vld [tilespmem:s7+$0x12410];
	[tilespmem:s8+$0x0] =	vst v4;
	v3 =	vadd.f32 v12, v3  }
0x1ca: {  	v4 =	vld [tilespmem:s1+$0x12410];
	v8 =	vadd.f32 v8, v10  }
0x1cb: {  	v6 =	vadd.f32 v13, v6;
	v9 =	vld [tilespmem:s15+$0x12410];
	[tilespmem:s25+$0x30] =	vst v3  }
0x1cc: {  	v3 =	vld [tilespmem:s12+$0x10];
	[tilespmem:s9+$0x0] =	vst v8  }
0x1cd: {  	[tilespmem:s6+$0xFFFFFFF0] =	vst v6;
	v8 =	vld [tilespmem:s17+$0x12410]  }
0x1ce: {  	v6 =	vld [tilespmem:s24+$0x10]  }
0x1cf: {  	v10 =	vld [tilespmem:s26+$0x10]  }
0x1d0: {  	v12 =	vld [tilespmem:s11+$0x10]  }
0x1d1: {  	v3 =	vadd.f32 v11, v3;
	v11 =	vld [tilespmem:s8+$0x10]  }
0x1d2: {  	v13 =	vld [tilespmem:s9+$0x10]  }
0x1d3: {  	v14 =	vld [tilespmem:s23+$0x12420];
	[tilespmem:s12+$0x10] =	vst v3;
	v3 =	vadd.f32 v5, v6  }
0x1d4: {  	v15 =	vld [tilespmem:s28+$0x12420];
	v6 =	vadd.f32 v7, v10  }
0x1d5: {  	v7 =	vld [tilespmem:s12+$0x20];
	[tilespmem:s24+$0x10] =	vst v3;
	v3 =	vadd.f32 v4, v12  }
0x1d6: {  	v5 =	vld [tilespmem:s14+$0x12420];
	[tilespmem:s26+$0x10] =	vst v6;
	v4 =	vadd.f32 v9, v11  }
0x1d7: {  	v6 =	vld [tilespmem:s7+$0x12420];
	[tilespmem:s11+$0x10] =	vst v3;
	v8 =	vadd.f32 v8, v13  }
.Ltmp8:
0x1d8: {  	v9 =	vadd.f32 v14, v2;
	v2 =	vld [tilespmem:s1+$0x12420];
	[tilespmem:s8+$0x10] =	vst v4;
	(pc) =	sbr.rel @p0 .LBB2_14-.Ltmp8, $4  }
0x1d9: {  	v3 =	vld [tilespmem:s15+$0x12420];
	[tilespmem:s9+$0x10] =	vst v8  }
0x1da: {  	[tilespmem:s6+$0x0] =	vst v9;
	v8 =	vadd.f32 v15, v7;
	v4 =	vld [tilespmem:s17+$0x12420]  }
0x1db: {  	v7 =	vld [tilespmem:s24+$0x20]  }
0x1dc: {  	s30 =	sadd.s32 $0x8, s30;
	[tilespmem:s12+$0x20] =	vst v8;
	v8 =	vld [tilespmem:s26+$0x20]  }
0x1dd: {  	v9 =	vld [tilespmem:s11+$0x20]  }
0x1de: {  	v10 =	vld [tilespmem:s8+$0x20]  }
0x1df: {  	v11 =	vld [tilespmem:s26+$0x30]  }
0x1e0: {  	v12 =	vld [tilespmem:s11+$0x30]  }
0x1e1: {  	v5 =	vadd.f32 v5, v7;
	v7 =	vld [tilespmem:s9+$0x20]  }
0x1e2: {  	v6 =	vadd.f32 v6, v8;
	v8 =	vld [tilespmem:s23+$0x12430]  }
0x1e3: {  	[tilespmem:s24+$0x20] =	vst v5;
	v5 =	vld [tilespmem:s28+$0x12430]  }
0x1e4: {  	v2 =	vadd.f32 v2, v9;
	v3 =	vadd.f32 v3, v10;
	v10 =	vld [tilespmem:s12+$0x30]  }
0x1e5: {  	[tilespmem:s26+$0x20] =	vst v6;
	v6 =	vld [tilespmem:s14+$0x12430]  }
0x1e6: {  	v9 =	vld [tilespmem:s7+$0x12430];
	[tilespmem:s11+$0x20] =	vst v2  }
0x1e7: {  	v2 =	vadd.f32 v4, v7;
	v4 =	vld [tilespmem:s1+$0x12430]  }
0x1e8: {  	[tilespmem:s8+$0x20] =	vst v3;
	v7 =	vld [tilespmem:s24+$0x30]  }
0x1e9: {  	v3 =	vld [tilespmem:s15+$0x12430]  }
0x1ea: {  	v1 =	vadd.f32 v8, v1;
	v8 =	vld [tilespmem:s8+$0x30]  }
0x1eb: {  	[tilespmem:s9+$0x20] =	vst v2;
	v5 =	vadd.f32 v5, v10;
	v10 =	vld [tilespmem:s9+$0x30]  }
0x1ec: {  	v2 =	vld [tilespmem:s17+$0x12430]  }
0x1ed: {  	[tilespmem:s31+$0x10] =	vst v1;
	v1 =	vadd.f32 v6, v7  }
0x1ee: {  	[tilespmem:s12+$0x30] =	vst v5;
	v5 =	vadd.f32 v9, v11  }
0x1ef: {  	[tilespmem:s24+$0x30] =	vst v1;
	v1 =	vadd.f32 v4, v12  }
0x1f0: {  	[tilespmem:s26+$0x30] =	vst v5;
	v3 =	vadd.f32 v3, v8  }
0x1f1: {  	s0 =	rddreg [dreg:$0x11];
	[tilespmem:s11+$0x30] =	vst v1;
	v1 =	vadd.f32 v2, v10  }
0x1f2: {  	s0 =	sshll.u32 s0, $0xE;
	s13 =	rddreg [dreg:$0x9];
	[tilespmem:s8+$0x30] =	vst v3  }
0x1f3: {  	s14 =	rddreg [dreg:$0x1];
	s0 =	sadd.s32 s13, s0;
	[tilespmem:s9+$0x30] =	vst v1  }
0x1f4: {  	s2 =	simm.s32 $0x7200;
	s0 =	sshrl.u32 s0, $0x3;
	s31 =	rddreg [dreg:$0xc]  }
0x1f5: {  	s15 =	simm.s32 $0x0;
	s0 =	sadd.s32 s14, s0;
	p0 =	sgt.u32 s31, $0x6  }
0x1f6: {  	[hbm4b:s0+s15] =	stream.linear.scatter [tilespmem:s2], [sflag:$0x5], $0x4000, $0x38;
	[tilespmem:$0x1A190] =	vst v63  }
0x1f7: {  	s0 =	simm.s32 @!p0 $0x5  }
0x1f8: {  	_ =	swait.ge @!p0 [sflag:s0], $0x4000  }
0x1f9: {  	s1 =	simm.s32 @!p0 $0x80;
	s2 =	simm.s32 @!p0 $0x7200;
	[sflag:s0] =	ssyncset.done @!p0 $0x0  }
0x1fa: {  	s3 =	rddreg [dreg:$0x3];
	[sflag:s0] =	ssyncadd.s32 @!p0 $0xFFFFC000;
	s0 =	sadd.s32 @!p0 $0x400, s22  }
0x1fb: {  	[tilespmem:s2], [sflag:$0x2] =	stream.indirect.gather @!p0 [hbm4b:s3+s1], $0x40, s0, s1, $0xb8;
	[tilespmem:$0x1A190] =	vst v63  }
0x1fc: {  	s17 =	simm.s32 $0x3;
	s0 =	sadd.s32 @!p0 $0x480, s22;
	s2 =	simm.s32 @!p0 $0x9200  }
0x1fd: {  	[tilespmem:s2], [sflag:$0x2] =	stream.indirect.gather @!p0 [hbm4b:s3+s1], $0x40, s0, s1, $0xb8;
	[tilespmem:$0x1A190] =	vst v63  }
0x1fe: {  	_ =	swait.ge [sflag:s17], $0x4000  }
0x1ff: {  	[sflag:s17] =	ssyncset.done $0x0  }
0x200: {  	[sflag:s17] =	ssyncadd.s32 $0xFFFFC000  }
0x201: {  	v1 =	vld [tilespmem:s19+$0x0];
	_ =	sdelay $0x1  }
0x202: {  	v2 =	vld [tilespmem:s19+$0xFFFFFFFA]  }
0x203: {  	v3 =	vld [tilespmem:s19+$0xFFFFFFFB]  }
0x204: {  	v4 =	vld [tilespmem:s19+$0xFFFFFFFC]  }
0x205: {  	(v2sf) =	vpush v1, $0x0  }
0x206: {  	v1 =	vld [tilespmem:s19+$0xFFFFFFFD]  }
0x207: {  	(v2sf) =	vpush v2, $0x0  }
0x208: {  	(v2sf) =	vpush v3, $0x0  }
0x209: {  	v5 =	vld [tilespmem:s19+$0xFFFFFFFE];
	(v2sf) =	vpush v4, $0x0;
	_ =	sdelay $0x1  }
0x20a: {  	(v2sf) =	vpush v1, $0x0;
	_ =	sdelay $0x2  }
0x20b: {  	(v2sf) =	vpush v5, $0x0;
	_ =	sdelay $0x1  }
0x20c: {  	v6 =	vld [tilespmem:s19+$0xFFFFFFFF]  }
0x20d: {  	v2 =	vld [tilespmem:s19+$0xFFFFFFF9]  }
0x20e: {  	s18 =	simm.s32 $0x0  }
0x20f: {  	s5 =	simm.s32 $0x1C0;
	s6 =	simm.s32 $0xB220;
	s0 =	sand.u32 $0x2000, s18  }
0x210: {  	s20 =	sand.u32 $0x1FC0, s5;
	s9 =	sadd.s32 $0xB200, s0;
	v4 =	vld [tilespmem:s6+$0x0];
	s21 =	spop (v2sf)  }
0x211: {  	s2 =	sadd.s32 s20, s9;
	v1 =	vld [tilespmem:s6+$0x10];
	(v2sf) =	vpush v6, $0x0;
	s22 =	sshll.u32 s21, $0x8  }
0x212: {  	(v2sf) =	vpush v2, $0x0;
	v2 =	vld [tilespmem:s2+$0x0];
	s23 =	spop (v2sf);
	s25 =	sshra.s32 s22, $0x2  }
0x213: {  	s24 =	spop (v2sf);
	s0 =	sshll.u32 s23, $0x8;
	v3 =	vld [tilespmem:s25+$0x12400]  }
0x214: {  	v5 =	vld [tilespmem:s6+$0xFFFFFFF0];
	s26 =	spop (v2sf);
	s1 =	sshll.u32 s24, $0x8;
	s23 =	sshra.s32 s0, $0x2  }
0x215: {  	s3 =	sshll.u32 s26, $0x8;
	s24 =	sshra.s32 s1, $0x2;
	v8 =	vld [tilespmem:s23+$0x12400]  }
0x216: {  	s4 =	spop (v2sf);
	s14 =	sshra.s32 s3, $0x2;
	v9 =	vld [tilespmem:s24+$0x12400]  }
0x217: {  	s13 =	simm.s32 $0x40;
	s18 =	simm.s32 $0x80;
	s11 =	sshll.u32 s4, $0x8;
	v10 =	vld [tilespmem:s14+$0x12400]  }
0x218: {  	s20 =	simm.s32 $0xC0;
	s4 =	sand.u32 $0x1E80, s18;
	s1 =	sshra.s32 s11, $0x2;
	v2 =	vadd.f32 v3, v2;
	v3 =	vld [tilespmem:s6+$0xFFFFFFE0]  }
0x219: {  	s21 =	simm.s32 $0x100;
	s29 =	spop (v2sf);
	s22 =	sadd.s32 s4, s9;
	v11 =	vld [tilespmem:s1+$0x12400]  }
0x21a: {  	s0 =	sand.u32 $0x1E40, s13;
	s26 =	simm.s32 $0x140;
	s12 =	sshll.u32 s29, $0x8;
	v15 =	vld [tilespmem:s22+$0x0]  }
0x21b: {  	s3 =	sand.u32 $0x1EC0, s20;
	s15 =	sshra.s32 s12, $0x2;
	s12 =	sadd.s32 s0, s9;
	v59 =	vld [tilespmem:s22+$0x10]  }
0x21c: {  	s29 =	sand.u32 $0x1F40, s26;
	s0 =	sand.u32 $0x1F00, s21;
	s21 =	sadd.s32 s3, s9;
	v14 =	vld [tilespmem:s12+$0x0]  }
0x21d: {  	s8 =	sadd.s32 s29, s9;
	v16 =	vld [tilespmem:s21+$0x0]  }
0x21e: {  	v56 =	vld [tilespmem:s8+$0x0]  }
0x21f: {  	v58 =	vld [tilespmem:s12+$0x10]  }
0x220: {  	s10 =	spop (v2sf);
	v60 =	vld [tilespmem:s21+$0x10]  }
0x221: {  	s30 =	spop (v2sf);
	v61 =	vld [tilespmem:s8+$0x10]  }
0x222: {  	s7 =	sshll.u32 s30, $0x8;
	[tilespmem:s2+$0x0] =	vst v2;
	v2 =	vld [tilespmem:s2+$0x10]  }
0x223: {  	s7 =	sshra.s32 s7, $0x2;
	v6 =	vld [tilespmem:s25+$0x12410]  }
0x224: {  	s17 =	sshll.u32 s10, $0x8;
	v7 =	vld [tilespmem:s7+$0x12400]  }
0x225: {  	s17 =	sshra.s32 s17, $0x2;
	s30 =	simm.s32 $0x180;
	v63 =	vld [tilespmem:s12+$0x20]  }
0x226: {  	s11 =	sadd.s32 s0, s9;
	v13 =	vld [tilespmem:s17+$0x12400];
	s0 =	sand.u32 $0x1F80, s30  }
0x227: {  	v17 =	vld [tilespmem:s11+$0x0];
	s9 =	sadd.s32 s0, s9  }
0x228: {  	v62 =	vld [tilespmem:s9+$0x10];
	v2 =	vadd.f32 v6, v2  }
0x229: {  	v6 =	vld [tilespmem:s15+$0x12400];
	v3 =	vadd.f32 v7, v3  }
0x22a: {  	[tilespmem:s2+$0x10] =	vst v2;
	v2 =	vld [tilespmem:s2+$0x20]  }
0x22b: {  	v7 =	vadd.f32 v8, v14;
	[tilespmem:s6+$0xFFFFFFE0] =	vst v3;
	v3 =	vadd.f32 v9, v15;
	v9 =	vld [tilespmem:s9+$0x0]  }
0x22c: {  	v55 =	vld [tilespmem:s25+$0x12420]  }
0x22d: {  	[tilespmem:s12+$0x0] =	vst v7;
	v7 =	vadd.f32 v10, v16;
	v10 =	vld [tilespmem:s7+$0x12410]  }
0x22e: {  	[tilespmem:s22+$0x0] =	vst v3;
	v3 =	vadd.f32 v11, v17;
	v11 =	vld [tilespmem:s23+$0x12410]  }
0x22f: {  	[tilespmem:s21+$0x0] =	vst v7;
	v6 =	vadd.f32 v6, v56;
	v7 =	vld [tilespmem:s24+$0x12410]  }
0x230: {  	[tilespmem:s11+$0x0] =	vst v3;
	v3 =	vld [tilespmem:s14+$0x12410]  }
0x231: {  	[tilespmem:s8+$0x0] =	vst v6;
	v6 =	vld [tilespmem:s1+$0x12410];
	v9 =	vadd.f32 v13, v9  }
0x232: {  	v2 =	vadd.f32 v55, v2;
	v57 =	vld [tilespmem:s15+$0x12410]  }
0x233: {  	v5 =	vadd.f32 v10, v5;
	v10 =	vld [tilespmem:s11+$0x10];
	[tilespmem:s9+$0x0] =	vst v9  }
0x234: {  	[tilespmem:s2+$0x20] =	vst v2;
	v2 =	vld [tilespmem:s2+$0x30]  }
0x235: {  	v11 =	vadd.f32 v11, v58;
	v9 =	vld [tilespmem:s17+$0x12410]  }
0x236: {  	[tilespmem:s6+$0xFFFFFFF0] =	vst v5;
	v5 =	vadd.f32 v7, v59;
	v8 =	vld [tilespmem:s25+$0x12430]  }
0x237: {  	[tilespmem:s12+$0x10] =	vst v11;
	v11 =	vld [tilespmem:s7+$0x12420];
	v3 =	vadd.f32 v3, v60  }
0x238: {  	v7 =	vld [tilespmem:s23+$0x12420];
	[tilespmem:s22+$0x10] =	vst v5;
	v10 =	vadd.f32 v6, v10  }
0x239: {  	v5 =	vld [tilespmem:s24+$0x12420];
	[tilespmem:s21+$0x10] =	vst v3;
	v3 =	vadd.f32 v57, v61  }
0x23a: {  	v6 =	vld [tilespmem:s14+$0x12420];
	[tilespmem:s11+$0x10] =	vst v10;
	v9 =	vadd.f32 v9, v62  }
0x23b: {  	[tilespmem:s8+$0x10] =	vst v3;
	v8 =	vadd.f32 v8, v2;
	v2 =	vld [tilespmem:s1+$0x12420]  }
0x23c: {  	v10 =	vadd.f32 v11, v4;
	v3 =	vld [tilespmem:s15+$0x12420];
	[tilespmem:s9+$0x10] =	vst v9  }
0x23d: {  	[tilespmem:s2+$0x30] =	vst v8;
	v8 =	vadd.f32 v7, v63;
	v4 =	vld [tilespmem:s17+$0x12420]  }
0x23e: {  	[tilespmem:s6+$0x0] =	vst v10;
	v7 =	vld [tilespmem:s22+$0x20]  }
0x23f: {  	s28 =	simm.s32 $0xB220;
	s26 =	sadd.s32 $0x8, s19;
	s2 =	simm.s32 $0x0;
	[tilespmem:s12+$0x20] =	vst v8;
	v8 =	vld [tilespmem:s21+$0x20]  }
.LBB2_16:
0x240: {  	v9 =	vld [tilespmem:s26+$0x0];
	s2 =	sadd.s32 $0x8, s2  }
0x241: {  	v10 =	vld [tilespmem:s26+$0xFFFFFFFA];
	p0 =	slt.u32 s2, $0xF8  }
0x242: {  	v11 =	vld [tilespmem:s26+$0xFFFFFFFB]  }
0x243: {  	v12 =	vld [tilespmem:s26+$0xFFFFFFFC];
	v5 =	vadd.f32 v5, v7  }
0x244: {  	v7 =	vld [tilespmem:s26+$0xFFFFFFFD];
	v6 =	vadd.f32 v6, v8  }
0x245: {  	v8 =	vld [tilespmem:s26+$0xFFFFFFFE];
	(v2sf) =	vpush v9, $0x0;
	[tilespmem:s22+$0x20] =	vst v5  }
0x246: {  	v5 =	vld [tilespmem:s26+$0xFFFFFFFF];
	(v2sf) =	vpush v10, $0x0;
	[tilespmem:s21+$0x20] =	vst v6  }
0x247: {  	v6 =	vld [tilespmem:s26+$0xFFFFFFF9];
	(v2sf) =	vpush v11, $0x0  }
0x248: {  	(v2sf) =	vpush v12, $0x0;
	v9 =	vld [tilespmem:s11+$0x20]  }
0x249: {  	(v2sf) =	vpush v7, $0x0;
	v7 =	vld [tilespmem:s8+$0x20]  }
0x24a: {  	(v2sf) =	vpush v8, $0x0;
	v8 =	vld [tilespmem:s9+$0x20]  }
0x24b: {  	(v2sf) =	vpush v5, $0x0;
	v5 =	vld [tilespmem:s7+$0x12430]  }
0x24c: {  	(v2sf) =	vpush v6, $0x0;
	v6 =	vld [tilespmem:s23+$0x12430]  }
0x24d: {  	v10 =	vld [tilespmem:s24+$0x12430];
	v2 =	vadd.f32 v2, v9  }
0x24e: {  	v9 =	vld [tilespmem:s14+$0x12430];
	v3 =	vadd.f32 v3, v7  }
0x24f: {  	v7 =	vld [tilespmem:s12+$0x30];
	[tilespmem:s11+$0x20] =	vst v2;
	v2 =	vadd.f32 v4, v8  }
0x250: {  	v1 =	vadd.f32 v5, v1;
	v4 =	vld [tilespmem:s1+$0x12430];
	[tilespmem:s8+$0x20] =	vst v3  }
0x251: {  	s5 =	sadd.s32 $0x200, s5;
	s6 =	sadd.s32 $0x200, s6;
	v3 =	vld [tilespmem:s15+$0x12430];
	[tilespmem:s9+$0x20] =	vst v2  }
0x252: {  	s0 =	sadd.s32 $0xFFFFFE40, s5;
	s3 =	sadd.s32 $0xFFFFFEC0, s5;
	s1 =	sadd.s32 $0xFFFFFE80, s5;
	[tilespmem:s28+$0x10] =	vst v1;
	v5 =	vld [tilespmem:s17+$0x12430]  }
0x253: {  	s4 =	sadd.s32 $0xFFFFFF00, s5;
	s0 =	sand.u32 $0x2000, s0;
	s7 =	sadd.s32 $0xFFFFFF40, s5;
	v1 =	vld [tilespmem:s22+$0x30]  }
0x254: {  	s28 =	sadd.s32 $0xB200, s0;
	s0 =	sand.u32 $0x1FC0, s5;
	s10 =	spop (v2sf);
	v2 =	vadd.f32 v6, v7;
	v6 =	vld [tilespmem:s21+$0x30]  }
0x255: {  	s25 =	sadd.s32 s0, s28;
	s0 =	sshll.u32 s10, $0x8;
	s10 =	spop (v2sf);
	v7 =	vld [tilespmem:s11+$0x30]  }
0x256: {  	s13 =	sadd.s32 $0xFFFFFF80, s5;
	v8 =	vld [tilespmem:s25+$0x0];
	s29 =	sshra.s32 s0, $0x2;
	s0 =	spop (v2sf);
	[tilespmem:s12+$0x30] =	vst v2  }
0x257: {  	s10 =	sshll.u32 s10, $0x8;
	s12 =	sadd.s32 $0xFFFFFFC0, s5;
	v11 =	vld [tilespmem:s29+$0x12400];
	s14 =	spop (v2sf)  }
0x258: {  	s0 =	sshll.u32 s0, $0x8;
	s14 =	sshll.u32 s14, $0x8;
	s15 =	spop (v2sf);
	v2 =	vadd.f32 v10, v1;
	v10 =	vld [tilespmem:s8+$0x30]  }
0x259: {  	s17 =	sand.u32 $0x1E40, s1;
	s1 =	sshll.u32 s15, $0x8;
	s15 =	spop (v2sf);
	v6 =	vadd.f32 v9, v6;
	v9 =	vld [tilespmem:s9+$0x30]  }
0x25a: {  	s3 =	sand.u32 $0x1E80, s3;
	v1 =	vld [tilespmem:s6+$0x10];
	s15 =	sshll.u32 s15, $0x8;
	s18 =	spop (v2sf);
	[tilespmem:s22+$0x30] =	vst v2;
	v4 =	vadd.f32 v4, v7  }
0x25b: {  	s4 =	sand.u32 $0x1EC0, s4;
	v2 =	vld [tilespmem:s6+$0x0];
	s18 =	sshll.u32 s18, $0x8;
	s20 =	spop (v2sf);
	[tilespmem:s21+$0x30] =	vst v6  }
0x25c: {  	s13 =	sand.u32 $0x1F40, s13;
	s30 =	sand.u32 $0x1F00, s7;
	s20 =	sshll.u32 s20, $0x8;
	v6 =	vld [tilespmem:s6+$0xFFFFFFF0];
	v7 =	vadd.f32 v11, v8;
	[tilespmem:s11+$0x30] =	vst v4  }
0x25d: {  	s23 =	sshra.s32 s10, $0x2;
	s10 =	sand.u32 $0x1F80, s12;
	v4 =	vld [tilespmem:s6+$0xFFFFFFE0];
	s7 =	sshra.s32 s20, $0x2;
	v3 =	vadd.f32 v3, v10  }
0x25e: {  	s24 =	sshra.s32 s0, $0x2;
	s14 =	sshra.s32 s14, $0x2;
	s1 =	sshra.s32 s1, $0x2;
	[tilespmem:s25+$0x0] =	vst v7;
	v7 =	vld [tilespmem:s25+$0x10];
	v5 =	vadd.f32 v5, v9  }
0x25f: {  	s12 =	sadd.s32 s17, s28;
	s15 =	sshra.s32 s15, $0x2;
	s17 =	sshra.s32 s18, $0x2;
	v8 =	vld [tilespmem:s29+$0x12410];
	[tilespmem:s8+$0x30] =	vst v3  }
0x260: {  	s22 =	sadd.s32 s3, s28;
	s21 =	sadd.s32 s4, s28;
	s11 =	sadd.s32 s30, s28;
	v3 =	vld [tilespmem:s7+$0x12400];
	[tilespmem:s9+$0x30] =	vst v5  }
0x261: {  	s8 =	sadd.s32 s13, s28;
	s9 =	sadd.s32 s10, s28;
	s28 =	smov.u32 s6;
	v5 =	vld [tilespmem:s23+$0x12400]  }
0x262: {  	v9 =	vld [tilespmem:s24+$0x12400]  }
0x263: {  	v10 =	vld [tilespmem:s14+$0x12400]  }
0x264: {  	v11 =	vld [tilespmem:s1+$0x12400];
	v7 =	vadd.f32 v8, v7  }
0x265: {  	v3 =	vadd.f32 v3, v4;
	v4 =	vld [tilespmem:s15+$0x12400]  }
0x266: {  	[tilespmem:s25+$0x10] =	vst v7;
	v7 =	vld [tilespmem:s25+$0x20]  }
0x267: {  	[tilespmem:s6+$0xFFFFFFE0] =	vst v3;
	v3 =	vld [tilespmem:s29+$0x12420]  }
0x268: {  	v8 =	vld [tilespmem:s17+$0x12400]  }
0x269: {  	v12 =	vld [tilespmem:s12+$0x0]  }
0x26a: {  	v13 =	vld [tilespmem:s22+$0x0]  }
0x26b: {  	v14 =	vld [tilespmem:s21+$0x0]  }
0x26c: {  	v15 =	vld [tilespmem:s11+$0x0];
	v3 =	vadd.f32 v3, v7  }
0x26d: {  	v7 =	vld [tilespmem:s8+$0x0]  }
0x26e: {  	v5 =	vadd.f32 v5, v12;
	[tilespmem:s25+$0x20] =	vst v3;
	v3 =	vld [tilespmem:s25+$0x30]  }
0x26f: {  	v9 =	vadd.f32 v9, v13;
	v12 =	vld [tilespmem:s29+$0x12430]  }
0x270: {  	[tilespmem:s12+$0x0] =	vst v5;
	v5 =	vadd.f32 v10, v14;
	v10 =	vld [tilespmem:s9+$0x0]  }
0x271: {  	v13 =	vld [tilespmem:s7+$0x12410];
	[tilespmem:s22+$0x0] =	vst v9;
	v9 =	vadd.f32 v11, v15  }
0x272: {  	v11 =	vld [tilespmem:s23+$0x12410];
	[tilespmem:s21+$0x0] =	vst v5;
	v4 =	vadd.f32 v4, v7  }
0x273: {  	v5 =	vld [tilespmem:s24+$0x12410];
	[tilespmem:s11+$0x0] =	vst v9  }
0x274: {  	v7 =	vld [tilespmem:s14+$0x12410];
	[tilespmem:s8+$0x0] =	vst v4;
	v3 =	vadd.f32 v12, v3  }
0x275: {  	v4 =	vld [tilespmem:s1+$0x12410];
	v8 =	vadd.f32 v8, v10  }
0x276: {  	v6 =	vadd.f32 v13, v6;
	v9 =	vld [tilespmem:s15+$0x12410];
	[tilespmem:s25+$0x30] =	vst v3  }
0x277: {  	v3 =	vld [tilespmem:s12+$0x10];
	[tilespmem:s9+$0x0] =	vst v8  }
0x278: {  	[tilespmem:s6+$0xFFFFFFF0] =	vst v6;
	v8 =	vld [tilespmem:s17+$0x12410]  }
0x279: {  	v6 =	vld [tilespmem:s22+$0x10]  }
0x27a: {  	v10 =	vld [tilespmem:s21+$0x10]  }
0x27b: {  	v12 =	vld [tilespmem:s11+$0x10]  }
0x27c: {  	v3 =	vadd.f32 v11, v3;
	v11 =	vld [tilespmem:s8+$0x10]  }
0x27d: {  	v13 =	vld [tilespmem:s9+$0x10]  }
0x27e: {  	v14 =	vld [tilespmem:s7+$0x12420];
	[tilespmem:s12+$0x10] =	vst v3;
	v3 =	vadd.f32 v5, v6  }
0x27f: {  	v15 =	vld [tilespmem:s23+$0x12420];
	v6 =	vadd.f32 v7, v10  }
0x280: {  	v7 =	vld [tilespmem:s12+$0x20];
	[tilespmem:s22+$0x10] =	vst v3;
	v3 =	vadd.f32 v4, v12  }
0x281: {  	v5 =	vld [tilespmem:s24+$0x12420];
	[tilespmem:s21+$0x10] =	vst v6;
	v4 =	vadd.f32 v9, v11  }
0x282: {  	v6 =	vld [tilespmem:s14+$0x12420];
	[tilespmem:s11+$0x10] =	vst v3;
	v8 =	vadd.f32 v8, v13  }
.Ltmp9:
0x283: {  	v9 =	vadd.f32 v14, v2;
	v2 =	vld [tilespmem:s1+$0x12420];
	[tilespmem:s8+$0x10] =	vst v4;
	(pc) =	sbr.rel @p0 .LBB2_16-.Ltmp9, $4  }
0x284: {  	v3 =	vld [tilespmem:s15+$0x12420];
	[tilespmem:s9+$0x10] =	vst v8  }
0x285: {  	[tilespmem:s6+$0x0] =	vst v9;
	v8 =	vadd.f32 v15, v7;
	v4 =	vld [tilespmem:s17+$0x12420]  }
0x286: {  	v7 =	vld [tilespmem:s22+$0x20]  }
0x287: {  	s26 =	sadd.s32 $0x8, s26;
	[tilespmem:s12+$0x20] =	vst v8;
	v8 =	vld [tilespmem:s21+$0x20]  }
0x288: {  	v9 =	vld [tilespmem:s11+$0x20]  }
0x289: {  	v10 =	vld [tilespmem:s8+$0x20]  }
0x28a: {  	v53 =	vld [tilespmem:s9+$0x20]  }
0x28b: {  	v54 =	vld [tilespmem:s7+$0x12430]  }
0x28c: {  	v55 =	vld [tilespmem:s23+$0x12430]  }
0x28d: {  	v58 =	vld [tilespmem:s12+$0x30]  }
0x28e: {  	v60 =	vld [tilespmem:s22+$0x30]  }
0x28f: {  	v11 =	vld [tilespmem:s21+$0x30];
	v5 =	vadd.f32 v5, v7  }
0x290: {  	v12 =	vld [tilespmem:s11+$0x30];
	v6 =	vadd.f32 v6, v8  }
0x291: {  	v61 =	vld [tilespmem:s8+$0x30];
	[tilespmem:s22+$0x20] =	vst v5;
	v2 =	vadd.f32 v2, v9  }
0x292: {  	[tilespmem:s21+$0x20] =	vst v6;
	v56 =	vld [tilespmem:s24+$0x12430]  }
0x293: {  	v3 =	vadd.f32 v3, v10;
	v57 =	vld [tilespmem:s14+$0x12430];
	[tilespmem:s11+$0x20] =	vst v2  }
0x294: {  	v2 =	vadd.f32 v4, v53;
	v59 =	vld [tilespmem:s1+$0x12430]  }
0x295: {  	v62 =	vld [tilespmem:s9+$0x30];
	v1 =	vadd.f32 v54, v1;
	[tilespmem:s8+$0x20] =	vst v3  }
0x296: {  	v5 =	vadd.f32 v55, v58;
	v3 =	vld [tilespmem:s15+$0x12430];
	[tilespmem:s9+$0x20] =	vst v2  }
0x297: {  	[tilespmem:s28+$0x10] =	vst v1;
	v2 =	vld [tilespmem:s17+$0x12430];
	v1 =	vadd.f32 v56, v60  }
0x298: {  	[tilespmem:s12+$0x30] =	vst v5;
	v63 =	vadd.f32 v57, v11  }
0x299: {  	[tilespmem:s22+$0x30] =	vst v1;
	v1 =	vadd.f32 v59, v12  }
0x29a: {  	[tilespmem:s21+$0x30] =	vst v63  }
0x29b: {  	s29 =	simm.s32 $0x0;
	v3 =	vadd.f32 v3, v61;
	s0 =	rddreg [dreg:$0xe];
	[tilespmem:s11+$0x30] =	vst v1  }
0x29c: {  	s31 =	sadd.s32 $0x1, s31;
	v1 =	vadd.f32 v2, v62;
	s0 =	sshll.u32 s0, $0xE;
	s26 =	rddreg [dreg:$0x9]  }
0x29d: {  	s2 =	simm.s32 $0xB200;
	p0 =	sne.s32 s31, $0x9;
	[tilespmem:s8+$0x30] =	vst v3;
	s0 =	sadd.s32 s26, s0  }
.Ltmp10:
0x29e: {  	s28 =	rddreg [dreg:$0x1];
	[tilespmem:s9+$0x30] =	vst v1;
	s0 =	sshrl.u32 s0, $0x3;
	(pc) =	sbr.rel @p0 .LBB2_6-.Ltmp10, $4  }
.Ltmp11:
0x29f: {  	s30 =	rddreg [dreg:$0xd];
	s0 =	sadd.s32 s28, s0;
	(pc) =	sbr.rel @!p0 .LBB2_18-.Ltmp11, $4  }
0x2a0: {  	[hbm4b:s0+s29] =	stream.linear.scatter [tilespmem:s2], [sflag:$0x6], $0x4000, $0x38;
	[tilespmem:$0x1A190] =	vst v63  }
0x2a1: {  	s0 =	sadd.s32 $0x300, s30  }
0x2a2: {  	s16 =	sadd.s32 $0x300, s16;
	s19 =	sadd.s32 $0x300, s19;
	[dreg:$0xd] =	wrdreg s0  }
0x2a3: {  	_ = 	snop  }
.LBB2_19:
0x2a4: {  	_ =	sfence.sel $0x180000  }
0x2a5: {  	[bflag:$0x0] =	sbarrier.arrive $0xFFFF  }
0x2a6: {  	_ =	strace $0x90000047  }
0x2a7: {  	s0 =	stileid.u32;
	[bflag:$0x2] =	sbarrier.arrive $0xFFFF  }
0x2a8: {  	p0 =	sne.s32 s0, $0x0;
	s0 =	rddreg [dreg:$0x2]  }
0x2a9: {  	s0 =	sadd.s32 @!p0 $0x100000, s0  }
0x2aa: {  	[sflag:s0] =	ssyncadd.tile.s32 @!p0 $0x1;
	_ =	shalt  }
.Lfunc_end2:
_tile_overlayer_lowered:
.L_overlay_start_2:
0x2ab: {  	(tag) =	ssettag $0x2  }
0x2ac: {  	s0 =	rddreg [dreg:$0x0];
	s2 =	stileid.u32  }
0x2ad: {  	s1 =	rddreg [dreg:$0x1];
	p0 =	sne.s32 s2, $0x0  }
0x2ae: {  	s3 =	rddreg [dreg:$0x2];
	[bflag:$0x3] =	sbarrier.arrive $0xFFFF;
	s2 =	simm.s32 @!p0 $0x1C07  }
0x2af: {  	[timem:s3], [sflag:s2] =	dma.local @!p0 [hbm:s0], s1  }
0x2b0: {  	s0 =	simm.s32 @!p0 $0x7  }
0x2b1: {  	_ =	swait.ge @!p0 [sflag:s0], s1  }
0x2b2: {  	s1 =	ssub.s32 @!p0 $0x0, s1;
	[sflag:s0] =	ssyncset.done @!p0 $0x0  }
0x2b3: {  	[sflag:s0] =	ssyncadd.s32 @!p0 s1  }
0x2b4: {  	[bflag:$0x3] =	sbarrier.arrive $0xFFFF  }
0x2b5: {  	_ =	shalt  }

// kernel: sparse-core-data-format-call.cloned.1.call-start
scs
called_computation_lowered:
.L_overlay_start_0:
0x0: {  	s2 =	sld [smem:$0x3FD9]  }
0x1: {  	s3 =	sld [smem:$0x3FFE];
	_ =	sdelay $0x1  }
0x2: {  	s1 =	srdreg.scid  }
0x3: {  	s0 =	sand.u32 $0x1, s1  }
0x4: {  	s18 =	sshll.u32 s0, $0xA;
	s2 =	sadd.s32 s3, s2  }
0x5: {  	s2 =	sadd.s32 s2, s18  }
0x6: {  	[smem:$0x3FC3] =	sst s2  }
0x7: {  	_ = 	snop  }
0x8: {  	s2 =	sld [smem:$0x3FD0];
	(tm) =	ssettm $0x1  }
0x9: {  	s19 =	sld [smem:$0x3FFB];
	_ =	sdelay $0x3  }
0xa: {  	_ =	strace s19  }
0xb: {  	s3 =	sld [smem:$0x3FFC];
	_ =	sdelay $0x3  }
0xc: {  	_ =	strace s3  }
0xd: {  	s3 =	sld [smem:$0x3FFD];
	_ =	sdelay $0x3  }
0xe: {  	_ =	strace s3  }
0xf: {  	_ =	strace $0x8FFFFFFF  }
0x10: {  	s20 =	sld [smem:$0x3FDB];
	_ =	sdelay $0x1  }
0x11: {  	s4 =	simm.s32 $_scs_section_size  }
0x12: {  	s5 =	simm.s32 $_size__tile_overlayer_lowered;
	s6 =	simm.s32 $_tile_overlayer_lowered  }
0x13: {  	s23 =	simm.s32 $0x1BFF;
	s22 =	sshll.u32 s6, $0x1;
	s3 =	sadd.s32 s4, s20  }
0x14: {  	s7 =	simm.s32 $0x0;
	s21 =	sshll.u32 s5, $0x1;
	s5 =	sadd.s32 s22, s3  }
0x15: {  	[timem:s7], [sflag:s23] =	dma.local [hbm:s5], s21  }
0x16: {  	_ =	swait.ge [sflag:s23], s21  }
0x17: {  	s4 =	ssub.s32 $0x0, s21;
	[sflag:s23] =	ssyncset.done $0x0  }
0x18: {  	[sflag:s23] =	ssyncadd.s32 s4;
	_ =	sdelay $0x1  }
0x19: {  	s24 =	simm.s32 $0x1B8B  }
0x1a: {  	_ =	swait.ge [sflag:s24], $0x1  }
0x1b: {  	[sflag:s24] =	ssyncset.done $0x0  }
0x1c: {  	s26 =	simm.s32 $0x1B8E;
	s25 =	sld [smem:$0x3FFE];
	[sflag:s24] =	ssyncadd.s32 $0xFFFFFFFF  }
0x1d: {  	s27 =	simm.s32 $execute0_lowered;
	[smem:$0x3FD2] =	sst s26  }
0x1e: {  	s5 =	sshll.u32 s27, $0x1;
	_ =	strace $0x80000049;
	[dreg:$0x1] =	wrdreg $0xFFFFFFFF  }
0x1f: {  	s28 =	simm.s32 $_size_execute0_lowered;
	s3 =	sadd.s32 s3, s5;
	[dreg:$0x0] =	wrdreg $0x0  }
0x20: {  	s5 =	sshll.u32 s28, $0x1;
	[dreg:$0x2] =	wrdreg s3  }
0x21: {  	[dreg:$0x3] =	wrdreg s5  }
0x22: {  	[dreg:$0x4] =	wrdreg $0xC0  }
0x23: {  	_ =	task [dreg:s7], $0x5FFFF  }
0x24: {  	[dreg:$0x1] =	wrdreg $0xFFFFFFFF  }
0x25: {  	[dreg:$0x0] =	wrdreg $0x60  }
0x26: {  	[dreg:$0x2] =	wrdreg s25  }
0x27: {  	[dreg:$0x3] =	wrdreg s2  }
0x28: {  	[dreg:$0x4] =	wrdreg $0x9  }
0x29: {  	_ =	task.clear_ibuf [dreg:s7], $0x5FFFF;
	_ =	strace $0x90000049  }
0x2a: {  	s29 =	simm.s32 $0x9;
	_ =	strace $0x8000004B  }
0x2b: {  	_ =	swait.ge [sflag:s29], $0x1  }
0x2c: {  	[sflag:s29] =	ssyncadd.s32 $0xFFFFFFFF  }
0x2d: {  	_ =	strace $0x9000004B  }
0x2e: {  	_ =	sfence  }
0x2f: {  	s30 =	sld [smem:$0x0];
	_ =	sdelay $0x2  }
0x30: {  	s31 =	sshll.u32 s1, $0xD;
	s1 =	sshrl.u32 s1, $0x2  }
0x31: {  	s3 =	sand.u32 $0x4000, s31;
	s1 =	sadd.s32 s1, s30  }
0x32: {  	s0 =	sor.u32 s3, s0;
	s1 =	sshll.u32 s1, $0x11  }
0x33: {  	s0 =	sor.u32 s1, s0  }
0x34: {  	s0 =	sadd.s32 $0x8F2B, s0  }
0x35: {  	[sflag:s0] =	ssyncadd.remote.s32 $0x1  }
0x36: {  	_ =	sfence.sel $0xFFFF  }
0x37: {  	[dreg:$0x0] =	wrdreg $0xFFFFFFFF;
	(pc) =	sbr.abs _section_cstart, $3  }
0x38: {  	[dreg:$0x1] =	wrdreg $0xFFFFFFFF  }
0x39: {  	_ =	task.clear_ibuf [dreg:s7], $0x2FFFF;
	_ =	strace $0x9FFFFFFF  }
0x3a: {  	(tm) =	ssettm $0x7FFFFFFF  }
0x3b: {  	_ =	shalt  }
tec
execute0_lowered:
.L_overlay_start_1:
0x0: {  	(tag) =	ssettag $0x1  }
0x1: {  	s0 =	stileid.u32;
	s6 =	rddreg [dreg:$0x0]  }
0x2: {  	s2 =	rddreg [dreg:$0x1];
	s5 =	srdreg.scid  }
0x3: {  	s31 =	simm.s32 $0x2;
	s13 =	simm.s32 $0x0;
	s1 =	sshll.u32 s0, $0x7  }
0x4: {  	s14 =	simm.s32 $0x0;
	s12 =	simm.s32 $0x0;
	s3 =	sand.u32 $0x380, s1  }
0x5: {  	s5 =	sshll.u32 s5, $0x4;
	s6 =	sadd.s32 $0x800, s6;
	s4 =	ssub.s32 $0x400, s3  }
0x6: {  	s1 =	rddreg [dreg:$0x2];
	_ =	strace $0x8000004A;
	s7 =	sand.u32 $0x380, s4  }
0x7: {  	s5 =	sand.u32 $0x10, s5;
	p0 =	sne.s32 s7, $0x0;
	s7 =	simm.s32 $0x1  }
.Ltmp0:
0x8: {  	s8 =	sshrl.u32 s4, $0xA;
	s7 =	simm.s32 @!p0 $0x0;
	(pc) =	sbr.rel .LBB1_1-.Ltmp0, $4  }
0x9: {  	s9 =	sor.u32 s0, s5;
	s4 =	simm.s32 $0x1;
	s30 =	sadd.s32 s7, s8  }
0xa: {  	s11 =	smov.u32 s3;
	[sflag:s4] =	ssyncpa.u1 $0x0;
	s5 =	smul.u32 $0x32, s30  }
0xb: {  	[sflag:s31] =	ssyncpa.u1 $0x0;
	p0 =	por $0x0, $0x0;
	s7 =	sshrl.u32 s9, $0x3  }
0xc: {  	s9 =	simm.s32 $0x2000;
	s10 =	smov.u32 s7;
	s8 =	sor.u32 $0x1, s5  }
.LBB1_4:
0xd: {  	s17 =	sand.u32 $0x1F80, s14;
	s13 =	sshll.u32 s13, $0xD  }
0xe: {  	[tilespmem:s16+$0x810 ss:$0x81] =	vst.msk $0xffff, v2;
	s18 =	sshrl.u32 s14, $0x3;
	s31 =	sand.u32 $0x7, s14;
	s17 =	sadd.s32 s2, s17  }
0xf: {  	[tilespmem:s16+$0x1020 ss:$0x81] =	vst.msk $0xffff, v0;
	s18 =	sand.u32 $0xF, s18;
	s14 =	sshll.u32 s31, $0x12;
	s13 =	sadd.s32 s13, s17  }
0x10: {  	[tilespmem:s16+$0x0 ss:$0x81] =	vst.msk $0xffff, v1;
	s14 =	sor.u32 $0x400, s14;
	s13 =	sadd.s32 s18, s13  }
0x11: {  	[hbm4b:s13+s14] =	stream.strided.scatter [tilespmem:s15], [sflag:$0x2], $0x2000, s9, s14, $0x20;
	[tilespmem:$0x8080] =	vst v63  }
.LBB1_5:
0x12: {  	s15 =	sadd.s32 $0x4, s10  }
0x13: {  	s13 =	sadd.s32 $0x400, s11;
	s17 =	smov.u32 s11;
	p2 =	sgt.s32 s15, $0xC7  }
0x14: {  	s17 =	smov.u32 @p2 s13  }
0x15: {  	s15 =	smov.u32 @p2 s7;
	p2 =	sgt.s32 s17, $0x3FF  }
0x16: {  	s17 =	smov.u32 @p2 s3;
	p2 =	sne.s32 s12, s8  }
.Ltmp1:
0x17: {  	p1 =	slt.u32 s12, $0x2;
	(pc) =	sbr.rel @!p2 .LBB1_6-.Ltmp1, $4  }
0x18: {  	s16 =	simm.s32 @!p1 $0x2  }
0x19: {  	s14 =	smov.u32 s11;
	p0 =	por !p0, !p0;
	_ =	swait.ge @!p1 [sflag:s16], $0x2000  }
0x1a: {  	s13 =	smov.u32 s10;
	[sflag:s16] =	ssyncset.done @!p1 $0x0;
	s10 =	smov.u32 s15  }
0x1b: {  	s12 =	sadd.s32 $0x1, s12;
	[sflag:s16] =	ssyncadd.s32 @!p1 $0xFFFFE000;
	s11 =	smov.u32 s17  }
.LBB1_1:
0x1c: {  	p1 =	sge.u32 s12, s5  }
0x1d: {  	s15 =	sand.u32 @!p1 $0x1FFFFFF, s10  }
0x1e: {  	s16 =	smulhi.u32 @!p1 $0x147AE15, s15;
	_ =	sdelay $0x1  }
0x1f: {  	s16 =	smul.u32 @!p1 $0xC8, s16  }
0x20: {  	s17 =	sxor.u32 @!p1 $0xFFFFFFFF, s12;
	s18 =	smul.u32 @!p1 $0xC80, s11  }
0x21: {  	s31 =	sadd.s32 $0xFFFFFFFF, s12;
	s17 =	sshll.u32 @!p1 s17, $0xD;
	s15 =	ssub.s32 @!p1 s15, s16  }
0x22: {  	s16 =	sand.u32 @!p1 $0x2000, s17;
	s17 =	sadd.s32 @!p1 s6, s18;
	s15 =	sshll.u32 @!p1 s15, $0x4  }
0x23: {  	s18 =	simm.s32 @!p1 $0x6400;
	s15 =	sadd.s32 @!p1 s15, s17;
	s17 =	simm.s32 @!p1 $0x40  }
0x24: {  	[tilespmem:s16], [sflag:$0x1] =	stream.strided.gather @!p1 [hbm4b:s15+s17], $0x2000, s18, s17, $0x38;
	[tilespmem:$0x8080] =	vst v63  }
0x25: {  	p1 =	sge.u32 s31, s5  }
.Ltmp2:
0x26: {  	_ = 	snop;
	(pc) =	sbr.rel @p1 .LBB1_5-.Ltmp2, $1  }
0x27: {  	_ =	sdelay $0x3  }
0x28: {  	s15 =	simm.s32 $0x1  }
0x29: {  	_ =	swait.ge [sflag:s4], $0x2000;
	s15 =	simm.s32 @!p0 $0x0  }
0x2a: {  	[sflag:s4] =	ssyncset.done $0x0;
	s16 =	sshll.u32 s15, $0xD  }
0x2b: {  	[sflag:s4] =	ssyncadd.s32 $0xFFFFE000;
	s19 =	sor.u32 $0x20, s16  }
0x2c: {  	s15 =	smul.u32 $0x8100, s15;
	v3 =	vld [tilespmem:s19+$0x10]  }
0x2d: {  	s30 =	sand.u32 $0x1, s12;
	v2 =	vld [tilespmem:s19+$0xFFFFFFF0]  }
0x2e: {  	s16 =	smul.u32 $0x8100, s30;
	s15 =	sshrl.u32 s15, $0x2;
	v0 =	vld [tilespmem:s19+$0x0]  }
0x2f: {  	v1 =	vld [tilespmem:s19+$0xFFFFFFE0];
	s17 =	sor.u32 $0x4000, s15  }
0x30: {  	s31 =	sshrl.u32 s16, $0x2;
	s16 =	sadd.s32 $0x0, s17  }
0x31: {  	s18 =	simm.s32 $0x4;
	s19 =	sadd.s32 $0x40, s19;
	s15 =	sor.u32 $0x4000, s31;
	[tilespmem:s16+$0x1830 ss:$0x81] =	vst.msk $0xffff, v3  }
.LBB1_3:
0x32: {  	v3 =	vld [tilespmem:s19+$0x10];
	p1 =	sne.s32 s18, $0x1FC;
	[tilespmem:s16+$0x810 ss:$0x81] =	vst.msk $0xffff, v2;
	s20 =	smov.u32 s18;
	s18 =	sadd.s32 $0x4, s18  }
.Ltmp3:
0x33: {  	v2 =	vld [tilespmem:s19+$0xFFFFFFF0];
	[tilespmem:s16+$0x1020 ss:$0x81] =	vst.msk $0xffff, v0;
	(pc) =	sbr.rel @p1 .LBB1_3-.Ltmp3, $4  }
0x34: {  	v0 =	vld [tilespmem:s19+$0x0];
	[tilespmem:s16+$0x0 ss:$0x81] =	vst.msk $0xffff, v1  }
0x35: {  	s16 =	sshra.s32 s20, $0x2;
	v1 =	vld [tilespmem:s19+$0xFFFFFFE0]  }
0x36: {  	s16 =	sadd.s32 s16, s17  }
0x37: {  	s19 =	sadd.s32 $0x40, s19;
	[tilespmem:s16+$0x1830 ss:$0x81] =	vst.msk $0xffff, v3  }
.Ltmp4:
0x38: {  	_ = 	snop;
	(pc) =	sbr.rel .LBB1_4-.Ltmp4, $1  }
0x39: {  	_ =	sdelay $0x3  }
.LBB1_6:
0x3a: {  	_ =	sfence.sel $0x180000  }
0x3b: {  	s2 =	simm.s32 $0x1;
	[bflag:$0x0] =	sbarrier.arrive $0xFFFF  }
0x3c: {  	s31 =	simm.s32 $0x2;
	[sflag:s2] =	ssyncpa.u1 $0x1  }
0x3d: {  	[sflag:s31] =	ssyncpa.u1 $0x1  }
0x3e: {  	p0 =	sne.s32 s0, $0x0;
	_ =	strace $0x9000004A  }
0x3f: {  	s0 =	sadd.s32 @!p0 $0x100000, s1;
	[bflag:$0x2] =	sbarrier.arrive $0xFFFF  }
0x40: {  	[sflag:s0] =	ssyncadd.tile.s32 @!p0 $0x1;
	_ =	shalt  }
.Lfunc_end1:
_tile_overlayer_lowered:
.L_overlay_start_2:
0x41: {  	(tag) =	ssettag $0x2  }
0x42: {  	s0 =	rddreg [dreg:$0x0];
	s2 =	stileid.u32  }
0x43: {  	s1 =	rddreg [dreg:$0x1];
	p0 =	sne.s32 s2, $0x0  }
0x44: {  	s3 =	rddreg [dreg:$0x2];
	[bflag:$0x3] =	sbarrier.arrive $0xFFFF;
	s2 =	simm.s32 @!p0 $0x1C01  }
0x45: {  	[timem:s3], [sflag:s2] =	dma.local @!p0 [hbm:s0], s1  }
0x46: {  	s0 =	simm.s32 @!p0 $0x1  }
0x47: {  	_ =	swait.ge @!p0 [sflag:s0], s1  }
0x48: {  	s1 =	ssub.s32 @!p0 $0x0, s1;
	[sflag:s0] =	ssyncset.done @!p0 $0x0  }
0x49: {  	[sflag:s0] =	ssyncadd.s32 @!p0 s1  }
0x4a: {  	[bflag:$0x3] =	sbarrier.arrive $0xFFFF  }
0x4b: {  	_ =	shalt  }

</sc_bundles>
